<compile_context>
chip_gen: v7x
topology: tpu7x:2x2x1
jax: 0.10.2.dev20260603
libtpu: 0.0.44.dev20260713+nightly
codegen_flags: <defaults>
</compile_context>

<pallas_src>
import functools

import jax
import jax.numpy as jnp
from jax import lax
from jax.experimental import pallas as pl
from jax.experimental.pallas import tpu as pltpu
from jax.experimental.pallas import tpu_sc as plsc

_SELFW = 1.0
_NC = 2
_NS = 16
_CHUNK = 120
_BLK = 3
_NBUF = 3


@functools.lru_cache(maxsize=None)
def _build_sc_agg(n, din, nblk, acc_rows):
    rows_per_tile = acc_rows // _NS
    assert rows_per_tile * _NS == acc_rows and nblk % 2 == 0
    assert (4 * _BLK) % _NBUF == 0
    nu = nblk // 2

    mesh = plsc.VectorSubcoreMesh(core_axis_name="c", subcore_axis_name="s")

    @functools.partial(
        pl.kernel,
        mesh=mesh,
        out_type=jax.ShapeDtypeStruct((_NC, acc_rows, din), jnp.float32),
        scratch_types=[
            pltpu.VMEM_SHARED((acc_rows, din), jnp.float32),
            pltpu.VMEM((_CHUNK, din), jnp.float32),
            pltpu.VMEM((_CHUNK, din), jnp.float32),
            pltpu.VMEM((_CHUNK, din), jnp.float32),
            pltpu.VMEM((2, _BLK, _CHUNK), jnp.int32),
            pltpu.VMEM((2, _BLK, _CHUNK), jnp.int32),
            pltpu.SemaphoreType.DMA,
            pltpu.SemaphoreType.DMA,
            pltpu.SemaphoreType.DMA,
            pltpu.SemaphoreType.DMA,
            pltpu.SemaphoreType.DMA,
        ],
    )
    def agg(x_hbm, idx_hbm, parts_hbm, acc, rows0, rows1, rows2, ib_a, ib_b,
            sem0, sem1, sem2, isem_a, isem_b):
        c = lax.axis_index("c")
        s = lax.axis_index("s")
        wid = s * _NC + c
        rows = (rows0, rows1, rows2)
        sems = (sem0, sem1, sem2)

        zeros16 = jnp.zeros((16,), jnp.float32)

        def zbody(i, carry):
            for j in range(din // 16):
                rows0[i, pl.ds(j * 16, 16)] = zeros16
            return carry

        lax.fori_loop(0, _CHUNK, zbody, 0)
        nfull, rem = divmod(rows_per_tile, _CHUNK)
        for j in range(nfull):
            r0 = s * rows_per_tile + j * _CHUNK
            pltpu.sync_copy(rows0, acc.at[pl.ds(r0, _CHUNK)])
        if rem:
            r0 = s * rows_per_tile + nfull * _CHUNK
            pltpu.sync_copy(rows0.at[pl.ds(0, rem)], acc.at[pl.ds(r0, rem)])
        plsc.subcore_barrier()

        def gstart(ib, v, g):
            j, d = divmod(v, 2)
            pltpu.async_copy(x_hbm.at[ib.at[d, j]], rows[g % _NBUF],
                             sems[g % _NBUF])

        def gwait(ib, v, g):
            j, d = divmod(v, 2)
            pltpu.make_async_copy(x_hbm.at[ib.at[d, j]], rows[g % _NBUF],
                                  sems[g % _NBUF]).wait()

        pltpu.sync_copy(idx_hbm.at[:, wid, 0], ib_a)
        pltpu.async_copy(idx_hbm.at[:, wid, 1], ib_b, isem_b)
        gstart(ib_a, 0, 0)
        gstart(ib_a, 1, 1)

        nv = 2 * _BLK

        def do_block(u, ib, nxt, nxt_isem, guarded):
            base = nv if guarded else 0
            for v in range(nv):
                gwait(ib, v, base + v)
                t = v + 2
                if t < nv:
                    gstart(ib, t, base + t)
                else:
                    def rollover(t=t):
                        if t == nv:
                            pltpu.make_async_copy(idx_hbm.at[:, wid, 0], nxt,
                                                  nxt_isem).wait()
                        gstart(nxt, t - nv, base + t)

                    if guarded:
                        pl.when(u < nu - 1)(rollover)
                    else:
                        rollover()
                j, d = divmod(v, 2)
                pltpu.sync_copy(rows[(base + v) % _NBUF], acc.at[ib.at[1 - d, j]],
                                add=True)

        def ebody(u, carry):
            do_block(u, ib_a, ib_b, isem_b, False)

            @pl.when(u < nu - 1)
            def _():
                pltpu.async_copy(idx_hbm.at[:, wid, 2 * u + 2], ib_a, isem_a)

            do_block(u, ib_b, ib_a, isem_a, True)

            @pl.when(u < nu - 1)
            def _():
                pltpu.async_copy(idx_hbm.at[:, wid, 2 * u + 3], ib_b, isem_b)

            return carry

        lax.fori_loop(0, nu, ebody, 0)
        plsc.subcore_barrier()

        for j in range(nfull):
            r0 = s * rows_per_tile + j * _CHUNK
            pltpu.sync_copy(acc.at[pl.ds(r0, _CHUNK)], rows0)
            pltpu.sync_copy(rows0, parts_hbm.at[c, pl.ds(r0, _CHUNK)])
        if rem:
            r0 = s * rows_per_tile + nfull * _CHUNK
            pltpu.sync_copy(acc.at[pl.ds(r0, rem)], rows0.at[pl.ds(0, rem)])
            pltpu.sync_copy(rows0.at[pl.ds(0, rem)],
                            parts_hbm.at[c, pl.ds(r0, rem)])

    return agg


def _make_mm_body(bm, pad, n):
    full = pad // n
    rem = pad % n

    def _mm_body(x_ref, p_ref, w_ref, b_ref, o_ref):
        rowid = bm * pl.program_id(0) + jax.lax.broadcasted_iota(
            jnp.int32, (bm, 1), 0)
        cnt = full + (rowid < rem).astype(jnp.float32)
        y = (_SELFW - 2.0 * cnt) * x_ref[...] + p_ref[0] + p_ref[1]
        o_ref[...] = jnp.dot(
            y, w_ref[...], preferred_element_type=jnp.float32
        ) + (2.0 + _SELFW) * b_ref[...]

    return _mm_body


def kernel(x, edge_index, W, b):
    n, din = x.shape
    dout = W.shape[1]
    e = edge_index.shape[1]
    nw = _NC * _NS

    iter_edges = 2 * _BLK * _CHUNK
    niter = -(-e // (nw * iter_edges))
    nblk = 2 * niter
    chunks_pw = nblk * _BLK
    epw = chunks_pw * _CHUNK
    pad = nw * epw - e
    acc_rows = -(-(n + 1) // (_NS * 8)) * (_NS * 8)

    padr = jnp.arange(pad, dtype=jnp.int32) % n
    ei = jnp.concatenate([edge_index, jnp.stack([padr, padr])], axis=1)
    idx = ei.reshape(2, nw, nblk, _BLK, _CHUNK)

    parts = _build_sc_agg(n, din, nblk, acc_rows)(x, idx)

    bm = 400 if n % 400 == 0 else 8
    grid = -(-n // bm)
    out = pl.pallas_call(
        _make_mm_body(bm, pad, n),
        grid=(grid,),
        in_specs=[
            pl.BlockSpec((bm, din), lambda i: (i, 0)),
            pl.BlockSpec((_NC, bm, din), lambda i: (0, i, 0)),
            pl.BlockSpec((din, dout), lambda i: (0, 0)),
            pl.BlockSpec((1, dout), lambda i: (0, 0)),
        ],
        out_specs=pl.BlockSpec((bm, dout), lambda i: (i, 0)),
        out_shape=jax.ShapeDtypeStruct((n, dout), jnp.float32),
    )(x, parts, W, b.reshape(1, dout))
    return out

# --- scband reference (transcript-rebuilt; emitter-appended) ---
"""Pipeline reference for scband-hgcn-50276887167360 (READ-ONLY COPY).

The authoritative reference and input builder live on the scoring server;
editing this copy changes nothing except your own understanding.
"""

import jax, jax.numpy as jnp
import numpy as np

N = 10000
E = 320000
DIN = 128
DOUT = 256
SELFW = 1.0


def setup_inputs(seed: int = 0) -> dict:
    key = jax.random.key(seed)
    k1, k2, k3, k4 = jax.random.split(key, 4)
    x = jax.random.normal(k1, (N, DIN), dtype=jnp.float32)
    edge_index = jax.random.randint(k2, (2, E), 0, N, dtype=jnp.int32)
    # GraphConvolution learned parameters (single node-type, ishg=False)
    W = jax.random.normal(k3, (DIN, DOUT), dtype=jnp.float32) * (1.0 / np.sqrt(DIN))
    b = jax.random.normal(k4, (DOUT,), dtype=jnp.float32) * 0.01
    return {"x": x, "edge_index": edge_index, "W": W, "b": b}


def reference(x, edge_index, W, b):
    # HGCN with a single node type i=0 and adj_mats = {(0,0): [adj]} where adj is
    # a (generally non-symmetric) sparse adjacency given as edge_index (src, dst).
    # GraphConvolution: support = x @ W; output = adj @ support + b (or support + b
    # when no adjacency is supplied).
    support = x @ W  # [N, DOUT]
    src = edge_index[0]
    dst = edge_index[1]
    n = x.shape[0]
    dout = W.shape[1]
    # self term: selfweight * gcn(x)
    self_term = SELFW * (support + b)
    # adj @ support: adj[dst, src] = 1 -> scatter-add support[src] into dst rows
    agg = jnp.zeros((n, dout), dtype=support.dtype).at[dst].add(support[src]) + b
    # adj is not symmetric (random edges) -> HGCN also adds gcn(x, adj.t())
    agg_t = jnp.zeros((n, dout), dtype=support.dtype).at[src].add(support[dst]) + b
    out = self_term + agg + agg_t
    return out

if __name__ == "__main__":
    import jax
    _d = setup_inputs()
    print(jax.jit(kernel)(*tuple(_d.values())))

</pallas_src>

<mosaic_0001>
#map = affine_map<(d0, d1) -> (0, 0)>
#map1 = affine_map<(d0, d1) -> (0, 0, 0, 0, 0)>
#map2 = affine_map<(d0, d1) -> (0, 0, 0)>
module attributes {stable_mosaic.version = 14 : i64} {
  func.func @agg(%arg0: i32, %arg1: i32, %arg2: memref<10000x128xf32, #tpu.memory_space<hbm>>, %arg3: memref<2x32x28x3x120xi32, #tpu.memory_space<hbm>>, %arg4: memref<2x10112x128xf32, #tpu.memory_space<hbm>>, %arg5: memref<10112x128xf32, #tpu.memory_space<vmem_shared>>, %arg6: memref<120x128xf32, #tpu.memory_space<vmem>>, %arg7: memref<120x128xf32, #tpu.memory_space<vmem>>, %arg8: memref<120x128xf32, #tpu.memory_space<vmem>>, %arg9: memref<2x3x120xi32, #tpu.memory_space<vmem>>, %arg10: memref<2x3x120xi32, #tpu.memory_space<vmem>>, %arg11: memref<!tpu.dma_semaphore, #tpu.memory_space<semaphore_mem>>, %arg12: memref<!tpu.dma_semaphore, #tpu.memory_space<semaphore_mem>>, %arg13: memref<!tpu.dma_semaphore, #tpu.memory_space<semaphore_mem>>, %arg14: memref<!tpu.dma_semaphore, #tpu.memory_space<semaphore_mem>>, %arg15: memref<!tpu.dma_semaphore, #tpu.memory_space<semaphore_mem>>) attributes {dimension_semantics = [#tpu.dimension_semantics<core_parallel>, #tpu.dimension_semantics<subcore_parallel>], iteration_bounds = array<i64: 2, 16>, scalar_prefetch = 0 : i64, scratch_operands = 11 : i64, tpu.core_type = #tpu.core_type<sc_vector_subcore>, window_params = [{transform_indices = #map}, {transform_indices = #map1}, {transform_indices = #map2}]} {
    %mul3A = arith.constant 2 : i32
    %mul3A_0 = arith.muli %arg1, %mul3A : i32
    %add3A = arith.addi %mul3A_0, %arg0 : i32
    %broadcast_in_dim3A = arith.constant 0.000000e+00 : f32
    %broadcast_in_dim3A_1 = vector.broadcast %broadcast_in_dim3A : f32 to vector<16xf32>
    %scan3A = arith.constant 0 : i32
    %scan3A_2 = arith.constant 0 : i32
    %scan3A_3 = arith.constant 120 : i32
    %scan3A_4 = arith.addi %scan3A_2, %scan3A_3 : i32
    %scan3A_5 = arith.constant 1 : i32
    scf.for %scan3A_88 = %scan3A_2 to %scan3A_4 step %scan3A_5  : i32 {
      %swap3A = arith.index_cast %scan3A_88 : i32 to index
      %swap3A_89 = arith.constant 0 : index
      %swap3A_90 = tpu.vector_load %arg6[%swap3A, %swap3A_89] {strides = array<i32>} : memref<120x128xf32, #tpu.memory_space<vmem>>, vector<1x16xf32>,
      %swap3A_91 = vector.shape_cast %swap3A_90 : vector<1x16xf32> to vector<16xf32>
      %swap3A_92 = vector.shape_cast %broadcast_in_dim3A_1 : vector<16xf32> to vector<1x16xf32>
      tpu.vector_store %arg6[%swap3A, %swap3A_89], %swap3A_92 {strides = array<i32>} : memref<120x128xf32, #tpu.memory_space<vmem>>, vector<1x16xf32>,
      %swap3A_93 = arith.index_cast %scan3A_88 : i32 to index
      %swap3A_94 = arith.constant 16 : index
      %swap3A_95 = tpu.vector_load %arg6[%swap3A_93, %swap3A_94] {strides = array<i32>} : memref<120x128xf32, #tpu.memory_space<vmem>>, vector<1x16xf32>,
      %swap3A_96 = vector.shape_cast %swap3A_95 : vector<1x16xf32> to vector<16xf32>
      %swap3A_97 = vector.shape_cast %broadcast_in_dim3A_1 : vector<16xf32> to vector<1x16xf32>
      tpu.vector_store %arg6[%swap3A_93, %swap3A_94], %swap3A_97 {strides = array<i32>} : memref<120x128xf32, #tpu.memory_space<vmem>>, vector<1x16xf32>,
      %swap3A_98 = arith.index_cast %scan3A_88 : i32 to index
      %swap3A_99 = arith.constant 32 : index
      %swap3A_100 = tpu.vector_load %arg6[%swap3A_98, %swap3A_99] {strides = array<i32>} : memref<120x128xf32, #tpu.memory_space<vmem>>, vector<1x16xf32>,
      %swap3A_101 = vector.shape_cast %swap3A_100 : vector<1x16xf32> to vector<16xf32>
      %swap3A_102 = vector.shape_cast %broadcast_in_dim3A_1 : vector<16xf32> to vector<1x16xf32>
      tpu.vector_store %arg6[%swap3A_98, %swap3A_99], %swap3A_102 {strides = array<i32>} : memref<120x128xf32, #tpu.memory_space<vmem>>, vector<1x16xf32>,
      %swap3A_103 = arith.index_cast %scan3A_88 : i32 to index
      %swap3A_104 = arith.constant 48 : index
      %swap3A_105 = tpu.vector_load %arg6[%swap3A_103, %swap3A_104] {strides = array<i32>} : memref<120x128xf32, #tpu.memory_space<vmem>>, vector<1x16xf32>,
      %swap3A_106 = vector.shape_cast %swap3A_105 : vector<1x16xf32> to vector<16xf32>
      %swap3A_107 = vector.shape_cast %broadcast_in_dim3A_1 : vector<16xf32> to vector<1x16xf32>
      tpu.vector_store %arg6[%swap3A_103, %swap3A_104], %swap3A_107 {strides = array<i32>} : memref<120x128xf32, #tpu.memory_space<vmem>>, vector<1x16xf32>,
      %swap3A_108 = arith.index_cast %scan3A_88 : i32 to index
      %swap3A_109 = arith.constant 64 : index
      %swap3A_110 = tpu.vector_load %arg6[%swap3A_108, %swap3A_109] {strides = array<i32>} : memref<120x128xf32, #tpu.memory_space<vmem>>, vector<1x16xf32>,
      %swap3A_111 = vector.shape_cast %swap3A_110 : vector<1x16xf32> to vector<16xf32>
      %swap3A_112 = vector.shape_cast %broadcast_in_dim3A_1 : vector<16xf32> to vector<1x16xf32>
      tpu.vector_store %arg6[%swap3A_108, %swap3A_109], %swap3A_112 {strides = array<i32>} : memref<120x128xf32, #tpu.memory_space<vmem>>, vector<1x16xf32>,
      %swap3A_113 = arith.index_cast %scan3A_88 : i32 to index
      %swap3A_114 = arith.constant 80 : index
      %swap3A_115 = tpu.vector_load %arg6[%swap3A_113, %swap3A_114] {strides = array<i32>} : memref<120x128xf32, #tpu.memory_space<vmem>>, vector<1x16xf32>,
      %swap3A_116 = vector.shape_cast %swap3A_115 : vector<1x16xf32> to vector<16xf32>
      %swap3A_117 = vector.shape_cast %broadcast_in_dim3A_1 : vector<16xf32> to vector<1x16xf32>
      tpu.vector_store %arg6[%swap3A_113, %swap3A_114], %swap3A_117 {strides = array<i32>} : memref<120x128xf32, #tpu.memory_space<vmem>>, vector<1x16xf32>,
      %swap3A_118 = arith.index_cast %scan3A_88 : i32 to index
      %swap3A_119 = arith.constant 96 : index
      %swap3A_120 = tpu.vector_load %arg6[%swap3A_118, %swap3A_119] {strides = array<i32>} : memref<120x128xf32, #tpu.memory_space<vmem>>, vector<1x16xf32>,
      %swap3A_121 = vector.shape_cast %swap3A_120 : vector<1x16xf32> to vector<16xf32>
      %swap3A_122 = vector.shape_cast %broadcast_in_dim3A_1 : vector<16xf32> to vector<1x16xf32>
      tpu.vector_store %arg6[%swap3A_118, %swap3A_119], %swap3A_122 {strides = array<i32>} : memref<120x128xf32, #tpu.memory_space<vmem>>, vector<1x16xf32>,
      %swap3A_123 = arith.index_cast %scan3A_88 : i32 to index
      %swap3A_124 = arith.constant 112 : index
      %swap3A_125 = tpu.vector_load %arg6[%swap3A_123, %swap3A_124] {strides = array<i32>} : memref<120x128xf32, #tpu.memory_space<vmem>>, vector<1x16xf32>,
      %swap3A_126 = vector.shape_cast %swap3A_125 : vector<1x16xf32> to vector<16xf32>
      %swap3A_127 = vector.shape_cast %broadcast_in_dim3A_1 : vector<16xf32> to vector<1x16xf32>
      tpu.vector_store %arg6[%swap3A_123, %swap3A_124], %swap3A_127 {strides = array<i32>} : memref<120x128xf32, #tpu.memory_space<vmem>>, vector<1x16xf32>,
    }
    %scan3A_6 = arith.constant 120 : i32
    %mul3A_7 = arith.constant 632 : i32
    %mul3A_8 = arith.muli %arg1, %mul3A_7 : i32
    %add3A_9 = arith.constant 0 : i32
    %add3A_10 = arith.addi %mul3A_8, %add3A_9 : i32
    "tpu.region"() ({
      %run_scoped3A_88 = tpu.sem_alloc : memref<!tpu.dma_semaphore, #tpu.memory_space<semaphore_mem>>
      %dma_start3A_89 = arith.constant 0 : i32
      %dma_start3A_90 = tpu.memref_slice %arg5[%add3A_10, %dma_start3A_89] : memref<10112x128xf32, #tpu.memory_space<vmem_shared>> -> memref<120x128xf32, #tpu.memory_space<vmem_shared>>
      %dma_start3A_91 = arith.constant 0 : i32
      %dma_start3A_92 = tpu.memref_slice %arg5[%add3A_10, %dma_start3A_91] : memref<10112x128xf32, #tpu.memory_space<vmem_shared>> -> memref<120x128xf32, #tpu.memory_space<vmem_shared>>
      tpu.enqueue_dma source(%arg6 : memref<120x128xf32, #tpu.memory_space<vmem>>) target(%dma_start3A_92 : memref<120x128xf32, #tpu.memory_space<vmem_shared>>) target_semaphore(%run_scoped3A_88 : memref<!tpu.dma_semaphore, #tpu.memory_space<semaphore_mem>>)
      %dma_wait3A = arith.constant 0 : i32
      %dma_wait3A_93 = tpu.memref_slice %arg5[%add3A_10, %dma_wait3A] : memref<10112x128xf32, #tpu.memory_space<vmem_shared>> -> memref<120x128xf32, #tpu.memory_space<vmem_shared>>
      %dma_wait3A_94 = arith.constant 0 : i32
      %dma_wait3A_95 = tpu.memref_slice %arg5[%add3A_10, %dma_wait3A_94] : memref<10112x128xf32, #tpu.memory_space<vmem_shared>> -> memref<120x128xf32, #tpu.memory_space<vmem_shared>>
      tpu.wait_dma2 semaphore(%run_scoped3A_88 : memref<!tpu.dma_semaphore, #tpu.memory_space<semaphore_mem>>) src(%arg6 : memref<120x128xf32, #tpu.memory_space<vmem>>) dst(%dma_wait3A_95 : memref<120x128xf32, #tpu.memory_space<vmem_shared>>)
      tpu.yield
    }) : () -> ()
    %mul3A_11 = arith.constant 632 : i32
    %mul3A_12 = arith.muli %arg1, %mul3A_11 : i32
    %add3A_13 = arith.constant 120 : i32
    %add3A_14 = arith.addi %mul3A_12, %add3A_13 : i32
    "tpu.region"() ({
      %run_scoped3A_88 = tpu.sem_alloc : memref<!tpu.dma_semaphore, #tpu.memory_space<semaphore_mem>>
      %dma_start3A_89 = arith.constant 0 : i32
      %dma_start3A_90 = tpu.memref_slice %arg5[%add3A_14, %dma_start3A_89] : memref<10112x128xf32, #tpu.memory_space<vmem_shared>> -> memref<120x128xf32, #tpu.memory_space<vmem_shared>>
      %dma_start3A_91 = arith.constant 0 : i32
      %dma_start3A_92 = tpu.memref_slice %arg5[%add3A_14, %dma_start3A_91] : memref<10112x128xf32, #tpu.memory_space<vmem_shared>> -> memref<120x128xf32, #tpu.memory_space<vmem_shared>>
      tpu.enqueue_dma source(%arg6 : memref<120x128xf32, #tpu.memory_space<vmem>>) target(%dma_start3A_92 : memref<120x128xf32, #tpu.memory_space<vmem_shared>>) target_semaphore(%run_scoped3A_88 : memref<!tpu.dma_semaphore, #tpu.memory_space<semaphore_mem>>)
      %dma_wait3A = arith.constant 0 : i32
      %dma_wait3A_93 = tpu.memref_slice %arg5[%add3A_14, %dma_wait3A] : memref<10112x128xf32, #tpu.memory_space<vmem_shared>> -> memref<120x128xf32, #tpu.memory_space<vmem_shared>>
      %dma_wait3A_94 = arith.constant 0 : i32
      %dma_wait3A_95 = tpu.memref_slice %arg5[%add3A_14, %dma_wait3A_94] : memref<10112x128xf32, #tpu.memory_space<vmem_shared>> -> memref<120x128xf32, #tpu.memory_space<vmem_shared>>
      tpu.wait_dma2 semaphore(%run_scoped3A_88 : memref<!tpu.dma_semaphore, #tpu.memory_space<semaphore_mem>>) src(%arg6 : memref<120x128xf32, #tpu.memory_space<vmem>>) dst(%dma_wait3A_95 : memref<120x128xf32, #tpu.memory_space<vmem_shared>>)
      tpu.yield
    }) : () -> ()
    %mul3A_15 = arith.constant 632 : i32
    %mul3A_16 = arith.muli %arg1, %mul3A_15 : i32
    %add3A_17 = arith.constant 240 : i32
    %add3A_18 = arith.addi %mul3A_16, %add3A_17 : i32
    "tpu.region"() ({
      %run_scoped3A_88 = tpu.sem_alloc : memref<!tpu.dma_semaphore, #tpu.memory_space<semaphore_mem>>
      %dma_start3A_89 = arith.constant 0 : i32
      %dma_start3A_90 = tpu.memref_slice %arg5[%add3A_18, %dma_start3A_89] : memref<10112x128xf32, #tpu.memory_space<vmem_shared>> -> memref<120x128xf32, #tpu.memory_space<vmem_shared>>
      %dma_start3A_91 = arith.constant 0 : i32
      %dma_start3A_92 = tpu.memref_slice %arg5[%add3A_18, %dma_start3A_91] : memref<10112x128xf32, #tpu.memory_space<vmem_shared>> -> memref<120x128xf32, #tpu.memory_space<vmem_shared>>
      tpu.enqueue_dma source(%arg6 : memref<120x128xf32, #tpu.memory_space<vmem>>) target(%dma_start3A_92 : memref<120x128xf32, #tpu.memory_space<vmem_shared>>) target_semaphore(%run_scoped3A_88 : memref<!tpu.dma_semaphore, #tpu.memory_space<semaphore_mem>>)
      %dma_wait3A = arith.constant 0 : i32
      %dma_wait3A_93 = tpu.memref_slice %arg5[%add3A_18, %dma_wait3A] : memref<10112x128xf32, #tpu.memory_space<vmem_shared>> -> memref<120x128xf32, #tpu.memory_space<vmem_shared>>
      %dma_wait3A_94 = arith.constant 0 : i32
      %dma_wait3A_95 = tpu.memref_slice %arg5[%add3A_18, %dma_wait3A_94] : memref<10112x128xf32, #tpu.memory_space<vmem_shared>> -> memref<120x128xf32, #tpu.memory_space<vmem_shared>>
      tpu.wait_dma2 semaphore(%run_scoped3A_88 : memref<!tpu.dma_semaphore, #tpu.memory_space<semaphore_mem>>) src(%arg6 : memref<120x128xf32, #tpu.memory_space<vmem>>) dst(%dma_wait3A_95 : memref<120x128xf32, #tpu.memory_space<vmem_shared>>)
      tpu.yield
    }) : () -> ()
    %mul3A_19 = arith.constant 632 : i32
    %mul3A_20 = arith.muli %arg1, %mul3A_19 : i32
    %add3A_21 = arith.constant 360 : i32
    %add3A_22 = arith.addi %mul3A_20, %add3A_21 : i32
    "tpu.region"() ({
      %run_scoped3A_88 = tpu.sem_alloc : memref<!tpu.dma_semaphore, #tpu.memory_space<semaphore_mem>>
      %dma_start3A_89 = arith.constant 0 : i32
      %dma_start3A_90 = tpu.memref_slice %arg5[%add3A_22, %dma_start3A_89] : memref<10112x128xf32, #tpu.memory_space<vmem_shared>> -> memref<120x128xf32, #tpu.memory_space<vmem_shared>>
      %dma_start3A_91 = arith.constant 0 : i32
      %dma_start3A_92 = tpu.memref_slice %arg5[%add3A_22, %dma_start3A_91] : memref<10112x128xf32, #tpu.memory_space<vmem_shared>> -> memref<120x128xf32, #tpu.memory_space<vmem_shared>>
      tpu.enqueue_dma source(%arg6 : memref<120x128xf32, #tpu.memory_space<vmem>>) target(%dma_start3A_92 : memref<120x128xf32, #tpu.memory_space<vmem_shared>>) target_semaphore(%run_scoped3A_88 : memref<!tpu.dma_semaphore, #tpu.memory_space<semaphore_mem>>)
      %dma_wait3A = arith.constant 0 : i32
      %dma_wait3A_93 = tpu.memref_slice %arg5[%add3A_22, %dma_wait3A] : memref<10112x128xf32, #tpu.memory_space<vmem_shared>> -> memref<120x128xf32, #tpu.memory_space<vmem_shared>>
      %dma_wait3A_94 = arith.constant 0 : i32
      %dma_wait3A_95 = tpu.memref_slice %arg5[%add3A_22, %dma_wait3A_94] : memref<10112x128xf32, #tpu.memory_space<vmem_shared>> -> memref<120x128xf32, #tpu.memory_space<vmem_shared>>
      tpu.wait_dma2 semaphore(%run_scoped3A_88 : memref<!tpu.dma_semaphore, #tpu.memory_space<semaphore_mem>>) src(%arg6 : memref<120x128xf32, #tpu.memory_space<vmem>>) dst(%dma_wait3A_95 : memref<120x128xf32, #tpu.memory_space<vmem_shared>>)
      tpu.yield
    }) : () -> ()
    %mul3A_23 = arith.constant 632 : i32
    %mul3A_24 = arith.muli %arg1, %mul3A_23 : i32
    %add3A_25 = arith.constant 480 : i32
    %add3A_26 = arith.addi %mul3A_24, %add3A_25 : i32
    "tpu.region"() ({
      %run_scoped3A_88 = tpu.sem_alloc : memref<!tpu.dma_semaphore, #tpu.memory_space<semaphore_mem>>
      %dma_start3A_89 = arith.constant 0 : i32
      %dma_start3A_90 = tpu.memref_slice %arg5[%add3A_26, %dma_start3A_89] : memref<10112x128xf32, #tpu.memory_space<vmem_shared>> -> memref<120x128xf32, #tpu.memory_space<vmem_shared>>
      %dma_start3A_91 = arith.constant 0 : i32
      %dma_start3A_92 = tpu.memref_slice %arg5[%add3A_26, %dma_start3A_91] : memref<10112x128xf32, #tpu.memory_space<vmem_shared>> -> memref<120x128xf32, #tpu.memory_space<vmem_shared>>
      tpu.enqueue_dma source(%arg6 : memref<120x128xf32, #tpu.memory_space<vmem>>) target(%dma_start3A_92 : memref<120x128xf32, #tpu.memory_space<vmem_shared>>) target_semaphore(%run_scoped3A_88 : memref<!tpu.dma_semaphore, #tpu.memory_space<semaphore_mem>>)
      %dma_wait3A = arith.constant 0 : i32
      %dma_wait3A_93 = tpu.memref_slice %arg5[%add3A_26, %dma_wait3A] : memref<10112x128xf32, #tpu.memory_space<vmem_shared>> -> memref<120x128xf32, #tpu.memory_space<vmem_shared>>
      %dma_wait3A_94 = arith.constant 0 : i32
      %dma_wait3A_95 = tpu.memref_slice %arg5[%add3A_26, %dma_wait3A_94] : memref<10112x128xf32, #tpu.memory_space<vmem_shared>> -> memref<120x128xf32, #tpu.memory_space<vmem_shared>>
      tpu.wait_dma2 semaphore(%run_scoped3A_88 : memref<!tpu.dma_semaphore, #tpu.memory_space<semaphore_mem>>) src(%arg6 : memref<120x128xf32, #tpu.memory_space<vmem>>) dst(%dma_wait3A_95 : memref<120x128xf32, #tpu.memory_space<vmem_shared>>)
      tpu.yield
    }) : () -> ()
    %mul3A_27 = arith.constant 632 : i32
    %mul3A_28 = arith.muli %arg1, %mul3A_27 : i32
    %add3A_29 = arith.constant 600 : i32
    %add3A_30 = arith.addi %mul3A_28, %add3A_29 : i32
    "tpu.region"() ({
      %run_scoped3A_88 = tpu.sem_alloc : memref<!tpu.dma_semaphore, #tpu.memory_space<semaphore_mem>>
      %dma_start3A_89 = arith.constant 0 : i32
      %dma_start3A_90 = arith.constant 0 : i32
      %dma_start3A_91 = tpu.memref_slice %arg6[%dma_start3A_89, %dma_start3A_90] : memref<120x128xf32, #tpu.memory_space<vmem>> -> memref<32x128xf32, #tpu.memory_space<vmem>>
      %dma_start3A_92 = arith.constant 0 : i32
      %dma_start3A_93 = tpu.memref_slice %arg5[%add3A_30, %dma_start3A_92] : memref<10112x128xf32, #tpu.memory_space<vmem_shared>> -> memref<32x128xf32, #tpu.memory_space<vmem_shared>>
      %dma_start3A_94 = arith.constant 0 : i32
      %dma_start3A_95 = tpu.memref_slice %arg5[%add3A_30, %dma_start3A_94] : memref<10112x128xf32, #tpu.memory_space<vmem_shared>> -> memref<32x128xf32, #tpu.memory_space<vmem_shared>>
      %dma_start3A_96 = arith.constant 0 : i32
      %dma_start3A_97 = arith.constant 0 : i32
      %dma_start3A_98 = tpu.memref_slice %arg6[%dma_start3A_96, %dma_start3A_97] : memref<120x128xf32, #tpu.memory_space<vmem>> -> memref<32x128xf32, #tpu.memory_space<vmem>>
      tpu.enqueue_dma source(%dma_start3A_98 : memref<32x128xf32, #tpu.memory_space<vmem>>) target(%dma_start3A_95 : memref<32x128xf32, #tpu.memory_space<vmem_shared>>) target_semaphore(%run_scoped3A_88 : memref<!tpu.dma_semaphore, #tpu.memory_space<semaphore_mem>>)
      %dma_wait3A = arith.constant 0 : i32
      %dma_wait3A_99 = arith.constant 0 : i32
      %dma_wait3A_100 = tpu.memref_slice %arg6[%dma_wait3A, %dma_wait3A_99] : memref<120x128xf32, #tpu.memory_space<vmem>> -> memref<32x128xf32, #tpu.memory_space<vmem>>
      %dma_wait3A_101 = arith.constant 0 : i32
      %dma_wait3A_102 = tpu.memref_slice %arg5[%add3A_30, %dma_wait3A_101] : memref<10112x128xf32, #tpu.memory_space<vmem_shared>> -> memref<32x128xf32, #tpu.memory_space<vmem_shared>>
      %dma_wait3A_103 = arith.constant 0 : i32
      %dma_wait3A_104 = tpu.memref_slice %arg5[%add3A_30, %dma_wait3A_103] : memref<10112x128xf32, #tpu.memory_space<vmem_shared>> -> memref<32x128xf32, #tpu.memory_space<vmem_shared>>
      %dma_wait3A_105 = arith.constant 0 : i32
      %dma_wait3A_106 = arith.constant 0 : i32
      %dma_wait3A_107 = tpu.memref_slice %arg6[%dma_wait3A_105, %dma_wait3A_106] : memref<120x128xf32, #tpu.memory_space<vmem>> -> memref<32x128xf32, #tpu.memory_space<vmem>>
      tpu.wait_dma2 semaphore(%run_scoped3A_88 : memref<!tpu.dma_semaphore, #tpu.memory_space<semaphore_mem>>) src(%dma_wait3A_107 : memref<32x128xf32, #tpu.memory_space<vmem>>) dst(%dma_wait3A_104 : memref<32x128xf32, #tpu.memory_space<vmem_shared>>)
      tpu.yield
    }) : () -> ()
    %barrier3A = arith.constant 0 : index
    tpu.barrier barrier_id(%barrier3A)
    %run_scoped3A = arith.constant 0 : i32
    "tpu.region"() ({
      %run_scoped3A_88 = tpu.sem_alloc : memref<!tpu.dma_semaphore, #tpu.memory_space<semaphore_mem>>
      %dma_start3A_89 = arith.constant 0 : i32
      %dma_start3A_90 = arith.constant 0 : i32
      %dma_start3A_91 = arith.constant 0 : i32
      %dma_start3A_92 = tpu.memref_slice %arg3[%dma_start3A_89, %add3A, %run_scoped3A, %dma_start3A_90, %dma_start3A_91] : memref<2x32x28x3x120xi32, #tpu.memory_space<hbm>> -> memref<2x1x1x3x120xi32, #tpu.memory_space<hbm>>
      %dma_start3A_93 = tpu.memref_squeeze %dma_start3A_92 : memref<2x1x1x3x120xi32, #tpu.memory_space<hbm>> -> memref<2x3x120xi32, #tpu.memory_space<hbm>>
      %dma_start3A_94 = arith.constant 0 : i32
      %dma_start3A_95 = arith.constant 0 : i32
      %dma_start3A_96 = arith.constant 0 : i32
      %dma_start3A_97 = tpu.memref_slice %arg3[%dma_start3A_94, %add3A, %run_scoped3A, %dma_start3A_95, %dma_start3A_96] : memref<2x32x28x3x120xi32, #tpu.memory_space<hbm>> -> memref<2x1x1x3x120xi32, #tpu.memory_space<hbm>>
      %dma_start3A_98 = tpu.memref_squeeze %dma_start3A_97 : memref<2x1x1x3x120xi32, #tpu.memory_space<hbm>> -> memref<2x3x120xi32, #tpu.memory_space<hbm>>
      tpu.enqueue_dma source(%dma_start3A_98 : memref<2x3x120xi32, #tpu.memory_space<hbm>>) target(%arg9 : memref<2x3x120xi32, #tpu.memory_space<vmem>>) target_semaphore(%run_scoped3A_88 : memref<!tpu.dma_semaphore, #tpu.memory_space<semaphore_mem>>)
      %dma_wait3A = arith.constant 0 : i32
      %dma_wait3A_99 = arith.constant 0 : i32
      %dma_wait3A_100 = arith.constant 0 : i32
      %dma_wait3A_101 = tpu.memref_slice %arg3[%dma_wait3A, %add3A, %run_scoped3A, %dma_wait3A_99, %dma_wait3A_100] : memref<2x32x28x3x120xi32, #tpu.memory_space<hbm>> -> memref<2x1x1x3x120xi32, #tpu.memory_space<hbm>>
      %dma_wait3A_102 = tpu.memref_squeeze %dma_wait3A_101 : memref<2x1x1x3x120xi32, #tpu.memory_space<hbm>> -> memref<2x3x120xi32, #tpu.memory_space<hbm>>
      %dma_wait3A_103 = arith.constant 0 : i32
      %dma_wait3A_104 = arith.constant 0 : i32
      %dma_wait3A_105 = arith.constant 0 : i32
      %dma_wait3A_106 = tpu.memref_slice %arg3[%dma_wait3A_103, %add3A, %run_scoped3A, %dma_wait3A_104, %dma_wait3A_105] : memref<2x32x28x3x120xi32, #tpu.memory_space<hbm>> -> memref<2x1x1x3x120xi32, #tpu.memory_space<hbm>>
      %dma_wait3A_107 = tpu.memref_squeeze %dma_wait3A_106 : memref<2x1x1x3x120xi32, #tpu.memory_space<hbm>> -> memref<2x3x120xi32, #tpu.memory_space<hbm>>
      tpu.wait_dma2 semaphore(%run_scoped3A_88 : memref<!tpu.dma_semaphore, #tpu.memory_space<semaphore_mem>>) src(%dma_wait3A_107 : memref<2x3x120xi32, #tpu.memory_space<hbm>>) dst(%arg9 : memref<2x3x120xi32, #tpu.memory_space<vmem>>)
      tpu.yield
    }) : () -> ()
    %dma_start3A = arith.constant 1 : i32
    %dma_start3A_31 = arith.constant 0 : i32
    %dma_start3A_32 = arith.constant 0 : i32
    %dma_start3A_33 = arith.constant 0 : i32
    %dma_start3A_34 = tpu.memref_slice %arg3[%dma_start3A_31, %add3A, %dma_start3A, %dma_start3A_32, %dma_start3A_33] : memref<2x32x28x3x120xi32, #tpu.memory_space<hbm>> -> memref<2x1x1x3x120xi32, #tpu.memory_space<hbm>>
    %dma_start3A_35 = tpu.memref_squeeze %dma_start3A_34 : memref<2x1x1x3x120xi32, #tpu.memory_space<hbm>> -> memref<2x3x120xi32, #tpu.memory_space<hbm>>
    %dma_start3A_36 = arith.constant 0 : i32
    %dma_start3A_37 = arith.constant 0 : i32
    %dma_start3A_38 = arith.constant 0 : i32
    %dma_start3A_39 = tpu.memref_slice %arg3[%dma_start3A_36, %add3A, %dma_start3A, %dma_start3A_37, %dma_start3A_38] : memref<2x32x28x3x120xi32, #tpu.memory_space<hbm>> -> memref<2x1x1x3x120xi32, #tpu.memory_space<hbm>>
    %dma_start3A_40 = tpu.memref_squeeze %dma_start3A_39 : memref<2x1x1x3x120xi32, #tpu.memory_space<hbm>> -> memref<2x3x120xi32, #tpu.memory_space<hbm>>
    tpu.enqueue_dma source(%dma_start3A_40 : memref<2x3x120xi32, #tpu.memory_space<hbm>>) target(%arg10 : memref<2x3x120xi32, #tpu.memory_space<vmem>>) target_semaphore(%arg15 : memref<!tpu.dma_semaphore, #tpu.memory_space<semaphore_mem>>)
    %dma_start3A_41 = arith.constant 0 : i32
    %dma_start3A_42 = arith.constant 0 : i32
    %dma_start3A_43 = arith.constant 0 : i32
    %dma_start3A_44 = tpu.memref_slice %arg9[%dma_start3A_41, %dma_start3A_42, %dma_start3A_43] : memref<2x3x120xi32, #tpu.memory_space<vmem>> -> memref<1x1x120xi32, #tpu.memory_space<vmem>>
    %dma_start3A_45 = tpu.memref_squeeze %dma_start3A_44 : memref<1x1x120xi32, #tpu.memory_space<vmem>> -> memref<120xi32, #tpu.memory_space<vmem>>
    %dma_start3A_46 = arith.constant 0 : i32
    %dma_start3A_47 = arith.constant 0 : i32
    %dma_start3A_48 = tpu.memref_slice %arg2[%dma_start3A_46, %dma_start3A_47] : memref<10000x128xf32, #tpu.memory_space<hbm>> -> memref<10000x128xf32, #tpu.memory_space<hbm>>
    tpu.enqueue_indirect_dma source(%dma_start3A_48 : memref<10000x128xf32, #tpu.memory_space<hbm>>) target(%arg6 : memref<120x128xf32, #tpu.memory_space<vmem>>) offsets(%dma_start3A_45 : memref<120xi32, #tpu.memory_space<vmem>>) semaphore(%arg11 : memref<!tpu.dma_semaphore, #tpu.memory_space<semaphore_mem>>)
    %dma_start3A_49 = arith.constant 1 : i32
    %dma_start3A_50 = arith.constant 0 : i32
    %dma_start3A_51 = arith.constant 0 : i32
    %dma_start3A_52 = tpu.memref_slice %arg9[%dma_start3A_49, %dma_start3A_50, %dma_start3A_51] : memref<2x3x120xi32, #tpu.memory_space<vmem>> -> memref<1x1x120xi32, #tpu.memory_space<vmem>>
    %dma_start3A_53 = tpu.memref_squeeze %dma_start3A_52 : memref<1x1x120xi32, #tpu.memory_space<vmem>> -> memref<120xi32, #tpu.memory_space<vmem>>
    %dma_start3A_54 = arith.constant 0 : i32
    %dma_start3A_55 = arith.constant 0 : i32
    %dma_start3A_56 = tpu.memref_slice %arg2[%dma_start3A_54, %dma_start3A_55] : memref<10000x128xf32, #tpu.memory_space<hbm>> -> memref<10000x128xf32, #tpu.memory_space<hbm>>
    tpu.enqueue_indirect_dma source(%dma_start3A_56 : memref<10000x128xf32, #tpu.memory_space<hbm>>) target(%arg7 : memref<120x128xf32, #tpu.memory_space<vmem>>) offsets(%dma_start3A_53 : memref<120xi32, #tpu.memory_space<vmem>>) semaphore(%arg12 : memref<!tpu.dma_semaphore, #tpu.memory_space<semaphore_mem>>)
    %scan3A_57 = arith.constant 0 : i32
    %scan3A_58 = arith.constant 0 : i32
    %scan3A_59 = arith.constant 14 : i32
    %scan3A_60 = arith.addi %scan3A_58, %scan3A_59 : i32
    %scan3A_61 = arith.constant 1 : i32
    scf.for %scan3A_88 = %scan3A_58 to %scan3A_60 step %scan3A_61  : i32 {
      %dma_wait3A = arith.constant 0 : i32
      %dma_wait3A_89 = arith.constant 0 : i32
      %dma_wait3A_90 = arith.constant 0 : i32
      %dma_wait3A_91 = tpu.memref_slice %arg9[%dma_wait3A, %dma_wait3A_89, %dma_wait3A_90] : memref<2x3x120xi32, #tpu.memory_space<vmem>> -> memref<1x1x120xi32, #tpu.memory_space<vmem>>
      %dma_wait3A_92 = tpu.memref_squeeze %dma_wait3A_91 : memref<1x1x120xi32, #tpu.memory_space<vmem>> -> memref<120xi32, #tpu.memory_space<vmem>>
      %dma_wait3A_93 = arith.constant 0 : i32
      %dma_wait3A_94 = arith.constant 0 : i32
      %dma_wait3A_95 = tpu.memref_slice %arg2[%dma_wait3A_93, %dma_wait3A_94] : memref<10000x128xf32, #tpu.memory_space<hbm>> -> memref<10000x128xf32, #tpu.memory_space<hbm>>
      tpu.wait_indirect_dma semaphore(%arg11 : memref<!tpu.dma_semaphore, #tpu.memory_space<semaphore_mem>>) src(%dma_wait3A_95 : memref<10000x128xf32, #tpu.memory_space<hbm>>) dst(%arg6 : memref<120x128xf32, #tpu.memory_space<vmem>>)
      %dma_start3A_96 = arith.constant 0 : i32
      %dma_start3A_97 = arith.constant 1 : i32
      %dma_start3A_98 = arith.constant 0 : i32
      %dma_start3A_99 = tpu.memref_slice %arg9[%dma_start3A_96, %dma_start3A_97, %dma_start3A_98] : memref<2x3x120xi32, #tpu.memory_space<vmem>> -> memref<1x1x120xi32, #tpu.memory_space<vmem>>
      %dma_start3A_100 = tpu.memref_squeeze %dma_start3A_99 : memref<1x1x120xi32, #tpu.memory_space<vmem>> -> memref<120xi32, #tpu.memory_space<vmem>>
      %dma_start3A_101 = arith.constant 0 : i32
      %dma_start3A_102 = arith.constant 0 : i32
      %dma_start3A_103 = tpu.memref_slice %arg2[%dma_start3A_101, %dma_start3A_102] : memref<10000x128xf32, #tpu.memory_space<hbm>> -> memref<10000x128xf32, #tpu.memory_space<hbm>>
      tpu.enqueue_indirect_dma source(%dma_start3A_103 : memref<10000x128xf32, #tpu.memory_space<hbm>>) target(%arg8 : memref<120x128xf32, #tpu.memory_space<vmem>>) offsets(%dma_start3A_100 : memref<120xi32, #tpu.memory_space<vmem>>) semaphore(%arg13 : memref<!tpu.dma_semaphore, #tpu.memory_space<semaphore_mem>>)
      %run_scoped3A_104 = arith.constant 1 : i32
      %run_scoped3A_105 = arith.constant 0 : i32
      "tpu.region"() ({
        %run_scoped3A_316 = tpu.sem_alloc : memref<!tpu.dma_semaphore, #tpu.memory_space<semaphore_mem>>
        %dma_start3A_317 = arith.constant 0 : i32
        %dma_start3A_318 = tpu.memref_slice %arg9[%run_scoped3A_104, %run_scoped3A_105, %dma_start3A_317] : memref<2x3x120xi32, #tpu.memory_space<vmem>> -> memref<1x1x120xi32, #tpu.memory_space<vmem>>
        %dma_start3A_319 = tpu.memref_squeeze %dma_start3A_318 : memref<1x1x120xi32, #tpu.memory_space<vmem>> -> memref<120xi32, #tpu.memory_space<vmem>>
        %dma_start3A_320 = arith.constant 0 : i32
        %dma_start3A_321 = arith.constant 0 : i32
        %dma_start3A_322 = tpu.memref_slice %arg5[%dma_start3A_320, %dma_start3A_321] : memref<10112x128xf32, #tpu.memory_space<vmem_shared>> -> memref<10112x128xf32, #tpu.memory_space<vmem_shared>>
        tpu.enqueue_indirect_dma source(%arg6 : memref<120x128xf32, #tpu.memory_space<vmem>>) target(%dma_start3A_322 : memref<10112x128xf32, #tpu.memory_space<vmem_shared>>) offsets(%dma_start3A_319 : memref<120xi32, #tpu.memory_space<vmem>>) semaphore(%run_scoped3A_316 : memref<!tpu.dma_semaphore, #tpu.memory_space<semaphore_mem>>) {add = true}
        %dma_wait3A_323 = arith.constant 0 : i32
        %dma_wait3A_324 = tpu.memref_slice %arg9[%run_scoped3A_104, %run_scoped3A_105, %dma_wait3A_323] : memref<2x3x120xi32, #tpu.memory_space<vmem>> -> memref<1x1x120xi32, #tpu.memory_space<vmem>>
        %dma_wait3A_325 = tpu.memref_squeeze %dma_wait3A_324 : memref<1x1x120xi32, #tpu.memory_space<vmem>> -> memref<120xi32, #tpu.memory_space<vmem>>
        %dma_wait3A_326 = arith.constant 0 : i32
        %dma_wait3A_327 = arith.constant 0 : i32
        %dma_wait3A_328 = tpu.memref_slice %arg5[%dma_wait3A_326, %dma_wait3A_327] : memref<10112x128xf32, #tpu.memory_space<vmem_shared>> -> memref<10112x128xf32, #tpu.memory_space<vmem_shared>>
        tpu.wait_indirect_dma semaphore(%run_scoped3A_316 : memref<!tpu.dma_semaphore, #tpu.memory_space<semaphore_mem>>) src(%arg6 : memref<120x128xf32, #tpu.memory_space<vmem>>) dst(%dma_wait3A_328 : memref<10112x128xf32, #tpu.memory_space<vmem_shared>>)
        tpu.yield
      }) : () -> ()
      %dma_wait3A_106 = arith.constant 1 : i32
      %dma_wait3A_107 = arith.constant 0 : i32
      %dma_wait3A_108 = arith.constant 0 : i32
      %dma_wait3A_109 = tpu.memref_slice %arg9[%dma_wait3A_106, %dma_wait3A_107, %dma_wait3A_108] : memref<2x3x120xi32, #tpu.memory_space<vmem>> -> memref<1x1x120xi32, #tpu.memory_space<vmem>>
      %dma_wait3A_110 = tpu.memref_squeeze %dma_wait3A_109 : memref<1x1x120xi32, #tpu.memory_space<vmem>> -> memref<120xi32, #tpu.memory_space<vmem>>
      %dma_wait3A_111 = arith.constant 0 : i32
      %dma_wait3A_112 = arith.constant 0 : i32
      %dma_wait3A_113 = tpu.memref_slice %arg2[%dma_wait3A_111, %dma_wait3A_112] : memref<10000x128xf32, #tpu.memory_space<hbm>> -> memref<10000x128xf32, #tpu.memory_space<hbm>>
      tpu.wait_indirect_dma semaphore(%arg12 : memref<!tpu.dma_semaphore, #tpu.memory_space<semaphore_mem>>) src(%dma_wait3A_113 : memref<10000x128xf32, #tpu.memory_space<hbm>>) dst(%arg7 : memref<120x128xf32, #tpu.memory_space<vmem>>)
      %dma_start3A_114 = arith.constant 1 : i32
      %dma_start3A_115 = arith.constant 1 : i32
      %dma_start3A_116 = arith.constant 0 : i32
      %dma_start3A_117 = tpu.memref_slice %arg9[%dma_start3A_114, %dma_start3A_115, %dma_start3A_116] : memref<2x3x120xi32, #tpu.memory_space<vmem>> -> memref<1x1x120xi32, #tpu.memory_space<vmem>>
      %dma_start3A_118 = tpu.memref_squeeze %dma_start3A_117 : memref<1x1x120xi32, #tpu.memory_space<vmem>> -> memref<120xi32, #tpu.memory_space<vmem>>
      %dma_start3A_119 = arith.constant 0 : i32
      %dma_start3A_120 = arith.constant 0 : i32
      %dma_start3A_121 = tpu.memref_slice %arg2[%dma_start3A_119, %dma_start3A_120] : memref<10000x128xf32, #tpu.memory_space<hbm>> -> memref<10000x128xf32, #tpu.memory_space<hbm>>
      tpu.enqueue_indirect_dma source(%dma_start3A_121 : memref<10000x128xf32, #tpu.memory_space<hbm>>) target(%arg6 : memref<120x128xf32, #tpu.memory_space<vmem>>) offsets(%dma_start3A_118 : memref<120xi32, #tpu.memory_space<vmem>>) semaphore(%arg11 : memref<!tpu.dma_semaphore, #tpu.memory_space<semaphore_mem>>)
      %run_scoped3A_122 = arith.constant 0 : i32
      %run_scoped3A_123 = arith.constant 0 : i32
      "tpu.region"() ({
        %run_scoped3A_316 = tpu.sem_alloc : memref<!tpu.dma_semaphore, #tpu.memory_space<semaphore_mem>>
        %dma_start3A_317 = arith.constant 0 : i32
        %dma_start3A_318 = tpu.memref_slice %arg9[%run_scoped3A_122, %run_scoped3A_123, %dma_start3A_317] : memref<2x3x120xi32, #tpu.memory_space<vmem>> -> memref<1x1x120xi32, #tpu.memory_space<vmem>>
        %dma_start3A_319 = tpu.memref_squeeze %dma_start3A_318 : memref<1x1x120xi32, #tpu.memory_space<vmem>> -> memref<120xi32, #tpu.memory_space<vmem>>
        %dma_start3A_320 = arith.constant 0 : i32
        %dma_start3A_321 = arith.constant 0 : i32
        %dma_start3A_322 = tpu.memref_slice %arg5[%dma_start3A_320, %dma_start3A_321] : memref<10112x128xf32, #tpu.memory_space<vmem_shared>> -> memref<10112x128xf32, #tpu.memory_space<vmem_shared>>
        tpu.enqueue_indirect_dma source(%arg7 : memref<120x128xf32, #tpu.memory_space<vmem>>) target(%dma_start3A_322 : memref<10112x128xf32, #tpu.memory_space<vmem_shared>>) offsets(%dma_start3A_319 : memref<120xi32, #tpu.memory_space<vmem>>) semaphore(%run_scoped3A_316 : memref<!tpu.dma_semaphore, #tpu.memory_space<semaphore_mem>>) {add = true}
        %dma_wait3A_323 = arith.constant 0 : i32
        %dma_wait3A_324 = tpu.memref_slice %arg9[%run_scoped3A_122, %run_scoped3A_123, %dma_wait3A_323] : memref<2x3x120xi32, #tpu.memory_space<vmem>> -> memref<1x1x120xi32, #tpu.memory_space<vmem>>
        %dma_wait3A_325 = tpu.memref_squeeze %dma_wait3A_324 : memref<1x1x120xi32, #tpu.memory_space<vmem>> -> memref<120xi32, #tpu.memory_space<vmem>>
        %dma_wait3A_326 = arith.constant 0 : i32
        %dma_wait3A_327 = arith.constant 0 : i32
        %dma_wait3A_328 = tpu.memref_slice %arg5[%dma_wait3A_326, %dma_wait3A_327] : memref<10112x128xf32, #tpu.memory_space<vmem_shared>> -> memref<10112x128xf32, #tpu.memory_space<vmem_shared>>
        tpu.wait_indirect_dma semaphore(%run_scoped3A_316 : memref<!tpu.dma_semaphore, #tpu.memory_space<semaphore_mem>>) src(%arg7 : memref<120x128xf32, #tpu.memory_space<vmem>>) dst(%dma_wait3A_328 : memref<10112x128xf32, #tpu.memory_space<vmem_shared>>)
        tpu.yield
      }) : () -> ()
      %dma_wait3A_124 = arith.constant 0 : i32
      %dma_wait3A_125 = arith.constant 1 : i32
      %dma_wait3A_126 = arith.constant 0 : i32
      %dma_wait3A_127 = tpu.memref_slice %arg9[%dma_wait3A_124, %dma_wait3A_125, %dma_wait3A_126] : memref<2x3x120xi32, #tpu.memory_space<vmem>> -> memref<1x1x120xi32, #tpu.memory_space<vmem>>
      %dma_wait3A_128 = tpu.memref_squeeze %dma_wait3A_127 : memref<1x1x120xi32, #tpu.memory_space<vmem>> -> memref<120xi32, #tpu.memory_space<vmem>>
      %dma_wait3A_129 = arith.constant 0 : i32
      %dma_wait3A_130 = arith.constant 0 : i32
      %dma_wait3A_131 = tpu.memref_slice %arg2[%dma_wait3A_129, %dma_wait3A_130] : memref<10000x128xf32, #tpu.memory_space<hbm>> -> memref<10000x128xf32, #tpu.memory_space<hbm>>
      tpu.wait_indirect_dma semaphore(%arg13 : memref<!tpu.dma_semaphore, #tpu.memory_space<semaphore_mem>>) src(%dma_wait3A_131 : memref<10000x128xf32, #tpu.memory_space<hbm>>) dst(%arg8 : memref<120x128xf32, #tpu.memory_space<vmem>>)
      %dma_start3A_132 = arith.constant 0 : i32
      %dma_start3A_133 = arith.constant 2 : i32
      %dma_start3A_134 = arith.constant 0 : i32
      %dma_start3A_135 = tpu.memref_slice %arg9[%dma_start3A_132, %dma_start3A_133, %dma_start3A_134] : memref<2x3x120xi32, #tpu.memory_space<vmem>> -> memref<1x1x120xi32, #tpu.memory_space<vmem>>
      %dma_start3A_136 = tpu.memref_squeeze %dma_start3A_135 : memref<1x1x120xi32, #tpu.memory_space<vmem>> -> memref<120xi32, #tpu.memory_space<vmem>>
      %dma_start3A_137 = arith.constant 0 : i32
      %dma_start3A_138 = arith.constant 0 : i32
      %dma_start3A_139 = tpu.memref_slice %arg2[%dma_start3A_137, %dma_start3A_138] : memref<10000x128xf32, #tpu.memory_space<hbm>> -> memref<10000x128xf32, #tpu.memory_space<hbm>>
      tpu.enqueue_indirect_dma source(%dma_start3A_139 : memref<10000x128xf32, #tpu.memory_space<hbm>>) target(%arg7 : memref<120x128xf32, #tpu.memory_space<vmem>>) offsets(%dma_start3A_136 : memref<120xi32, #tpu.memory_space<vmem>>) semaphore(%arg12 : memref<!tpu.dma_semaphore, #tpu.memory_space<semaphore_mem>>)
      %run_scoped3A_140 = arith.constant 1 : i32
      %run_scoped3A_141 = arith.constant 1 : i32
      "tpu.region"() ({
        %run_scoped3A_316 = tpu.sem_alloc : memref<!tpu.dma_semaphore, #tpu.memory_space<semaphore_mem>>
        %dma_start3A_317 = arith.constant 0 : i32
        %dma_start3A_318 = tpu.memref_slice %arg9[%run_scoped3A_140, %run_scoped3A_141, %dma_start3A_317] : memref<2x3x120xi32, #tpu.memory_space<vmem>> -> memref<1x1x120xi32, #tpu.memory_space<vmem>>
        %dma_start3A_319 = tpu.memref_squeeze %dma_start3A_318 : memref<1x1x120xi32, #tpu.memory_space<vmem>> -> memref<120xi32, #tpu.memory_space<vmem>>
        %dma_start3A_320 = arith.constant 0 : i32
        %dma_start3A_321 = arith.constant 0 : i32
        %dma_start3A_322 = tpu.memref_slice %arg5[%dma_start3A_320, %dma_start3A_321] : memref<10112x128xf32, #tpu.memory_space<vmem_shared>> -> memref<10112x128xf32, #tpu.memory_space<vmem_shared>>
        tpu.enqueue_indirect_dma source(%arg8 : memref<120x128xf32, #tpu.memory_space<vmem>>) target(%dma_start3A_322 : memref<10112x128xf32, #tpu.memory_space<vmem_shared>>) offsets(%dma_start3A_319 : memref<120xi32, #tpu.memory_space<vmem>>) semaphore(%run_scoped3A_316 : memref<!tpu.dma_semaphore, #tpu.memory_space<semaphore_mem>>) {add = true}
        %dma_wait3A_323 = arith.constant 0 : i32
        %dma_wait3A_324 = tpu.memref_slice %arg9[%run_scoped3A_140, %run_scoped3A_141, %dma_wait3A_323] : memref<2x3x120xi32, #tpu.memory_space<vmem>> -> memref<1x1x120xi32, #tpu.memory_space<vmem>>
        %dma_wait3A_325 = tpu.memref_squeeze %dma_wait3A_324 : memref<1x1x120xi32, #tpu.memory_space<vmem>> -> memref<120xi32, #tpu.memory_space<vmem>>
        %dma_wait3A_326 = arith.constant 0 : i32
        %dma_wait3A_327 = arith.constant 0 : i32
        %dma_wait3A_328 = tpu.memref_slice %arg5[%dma_wait3A_326, %dma_wait3A_327] : memref<10112x128xf32, #tpu.memory_space<vmem_shared>> -> memref<10112x128xf32, #tpu.memory_space<vmem_shared>>
        tpu.wait_indirect_dma semaphore(%run_scoped3A_316 : memref<!tpu.dma_semaphore, #tpu.memory_space<semaphore_mem>>) src(%arg8 : memref<120x128xf32, #tpu.memory_space<vmem>>) dst(%dma_wait3A_328 : memref<10112x128xf32, #tpu.memory_space<vmem_shared>>)
        tpu.yield
      }) : () -> ()
      %dma_wait3A_142 = arith.constant 1 : i32
      %dma_wait3A_143 = arith.constant 1 : i32
      %dma_wait3A_144 = arith.constant 0 : i32
      %dma_wait3A_145 = tpu.memref_slice %arg9[%dma_wait3A_142, %dma_wait3A_143, %dma_wait3A_144] : memref<2x3x120xi32, #tpu.memory_space<vmem>> -> memref<1x1x120xi32, #tpu.memory_space<vmem>>
      %dma_wait3A_146 = tpu.memref_squeeze %dma_wait3A_145 : memref<1x1x120xi32, #tpu.memory_space<vmem>> -> memref<120xi32, #tpu.memory_space<vmem>>
      %dma_wait3A_147 = arith.constant 0 : i32
      %dma_wait3A_148 = arith.constant 0 : i32
      %dma_wait3A_149 = tpu.memref_slice %arg2[%dma_wait3A_147, %dma_wait3A_148] : memref<10000x128xf32, #tpu.memory_space<hbm>> -> memref<10000x128xf32, #tpu.memory_space<hbm>>
      tpu.wait_indirect_dma semaphore(%arg11 : memref<!tpu.dma_semaphore, #tpu.memory_space<semaphore_mem>>) src(%dma_wait3A_149 : memref<10000x128xf32, #tpu.memory_space<hbm>>) dst(%arg6 : memref<120x128xf32, #tpu.memory_space<vmem>>)
      %dma_start3A_150 = arith.constant 1 : i32
      %dma_start3A_151 = arith.constant 2 : i32
      %dma_start3A_152 = arith.constant 0 : i32
      %dma_start3A_153 = tpu.memref_slice %arg9[%dma_start3A_150, %dma_start3A_151, %dma_start3A_152] : memref<2x3x120xi32, #tpu.memory_space<vmem>> -> memref<1x1x120xi32, #tpu.memory_space<vmem>>
      %dma_start3A_154 = tpu.memref_squeeze %dma_start3A_153 : memref<1x1x120xi32, #tpu.memory_space<vmem>> -> memref<120xi32, #tpu.memory_space<vmem>>
      %dma_start3A_155 = arith.constant 0 : i32
      %dma_start3A_156 = arith.constant 0 : i32
      %dma_start3A_157 = tpu.memref_slice %arg2[%dma_start3A_155, %dma_start3A_156] : memref<10000x128xf32, #tpu.memory_space<hbm>> -> memref<10000x128xf32, #tpu.memory_space<hbm>>
      tpu.enqueue_indirect_dma source(%dma_start3A_157 : memref<10000x128xf32, #tpu.memory_space<hbm>>) target(%arg8 : memref<120x128xf32, #tpu.memory_space<vmem>>) offsets(%dma_start3A_154 : memref<120xi32, #tpu.memory_space<vmem>>) semaphore(%arg13 : memref<!tpu.dma_semaphore, #tpu.memory_space<semaphore_mem>>)
      %run_scoped3A_158 = arith.constant 0 : i32
      %run_scoped3A_159 = arith.constant 1 : i32
      "tpu.region"() ({
        %run_scoped3A_316 = tpu.sem_alloc : memref<!tpu.dma_semaphore, #tpu.memory_space<semaphore_mem>>
        %dma_start3A_317 = arith.constant 0 : i32
        %dma_start3A_318 = tpu.memref_slice %arg9[%run_scoped3A_158, %run_scoped3A_159, %dma_start3A_317] : memref<2x3x120xi32, #tpu.memory_space<vmem>> -> memref<1x1x120xi32, #tpu.memory_space<vmem>>
        %dma_start3A_319 = tpu.memref_squeeze %dma_start3A_318 : memref<1x1x120xi32, #tpu.memory_space<vmem>> -> memref<120xi32, #tpu.memory_space<vmem>>
        %dma_start3A_320 = arith.constant 0 : i32
        %dma_start3A_321 = arith.constant 0 : i32
        %dma_start3A_322 = tpu.memref_slice %arg5[%dma_start3A_320, %dma_start3A_321] : memref<10112x128xf32, #tpu.memory_space<vmem_shared>> -> memref<10112x128xf32, #tpu.memory_space<vmem_shared>>
        tpu.enqueue_indirect_dma source(%arg6 : memref<120x128xf32, #tpu.memory_space<vmem>>) target(%dma_start3A_322 : memref<10112x128xf32, #tpu.memory_space<vmem_shared>>) offsets(%dma_start3A_319 : memref<120xi32, #tpu.memory_space<vmem>>) semaphore(%run_scoped3A_316 : memref<!tpu.dma_semaphore, #tpu.memory_space<semaphore_mem>>) {add = true}
        %dma_wait3A_323 = arith.constant 0 : i32
        %dma_wait3A_324 = tpu.memref_slice %arg9[%run_scoped3A_158, %run_scoped3A_159, %dma_wait3A_323] : memref<2x3x120xi32, #tpu.memory_space<vmem>> -> memref<1x1x120xi32, #tpu.memory_space<vmem>>
        %dma_wait3A_325 = tpu.memref_squeeze %dma_wait3A_324 : memref<1x1x120xi32, #tpu.memory_space<vmem>> -> memref<120xi32, #tpu.memory_space<vmem>>
        %dma_wait3A_326 = arith.constant 0 : i32
        %dma_wait3A_327 = arith.constant 0 : i32
        %dma_wait3A_328 = tpu.memref_slice %arg5[%dma_wait3A_326, %dma_wait3A_327] : memref<10112x128xf32, #tpu.memory_space<vmem_shared>> -> memref<10112x128xf32, #tpu.memory_space<vmem_shared>>
        tpu.wait_indirect_dma semaphore(%run_scoped3A_316 : memref<!tpu.dma_semaphore, #tpu.memory_space<semaphore_mem>>) src(%arg6 : memref<120x128xf32, #tpu.memory_space<vmem>>) dst(%dma_wait3A_328 : memref<10112x128xf32, #tpu.memory_space<vmem_shared>>)
        tpu.yield
      }) : () -> ()
      %dma_wait3A_160 = arith.constant 0 : i32
      %dma_wait3A_161 = arith.constant 2 : i32
      %dma_wait3A_162 = arith.constant 0 : i32
      %dma_wait3A_163 = tpu.memref_slice %arg9[%dma_wait3A_160, %dma_wait3A_161, %dma_wait3A_162] : memref<2x3x120xi32, #tpu.memory_space<vmem>> -> memref<1x1x120xi32, #tpu.memory_space<vmem>>
      %dma_wait3A_164 = tpu.memref_squeeze %dma_wait3A_163 : memref<1x1x120xi32, #tpu.memory_space<vmem>> -> memref<120xi32, #tpu.memory_space<vmem>>
      %dma_wait3A_165 = arith.constant 0 : i32
      %dma_wait3A_166 = arith.constant 0 : i32
      %dma_wait3A_167 = tpu.memref_slice %arg2[%dma_wait3A_165, %dma_wait3A_166] : memref<10000x128xf32, #tpu.memory_space<hbm>> -> memref<10000x128xf32, #tpu.memory_space<hbm>>
      tpu.wait_indirect_dma semaphore(%arg12 : memref<!tpu.dma_semaphore, #tpu.memory_space<semaphore_mem>>) src(%dma_wait3A_167 : memref<10000x128xf32, #tpu.memory_space<hbm>>) dst(%arg7 : memref<120x128xf32, #tpu.memory_space<vmem>>)
      %dma_wait3A_168 = arith.constant 0 : i32
      %dma_wait3A_169 = arith.constant 0 : i32
      %dma_wait3A_170 = arith.constant 0 : i32
      %dma_wait3A_171 = arith.constant 0 : i32
      %dma_wait3A_172 = tpu.memref_slice %arg3[%dma_wait3A_169, %add3A, %dma_wait3A_168, %dma_wait3A_170, %dma_wait3A_171] : memref<2x32x28x3x120xi32, #tpu.memory_space<hbm>> -> memref<2x1x1x3x120xi32, #tpu.memory_space<hbm>>
      %dma_wait3A_173 = tpu.memref_squeeze %dma_wait3A_172 : memref<2x1x1x3x120xi32, #tpu.memory_space<hbm>> -> memref<2x3x120xi32, #tpu.memory_space<hbm>>
      %dma_wait3A_174 = arith.constant 0 : i32
      %dma_wait3A_175 = arith.constant 0 : i32
      %dma_wait3A_176 = arith.constant 0 : i32
      %dma_wait3A_177 = tpu.memref_slice %arg3[%dma_wait3A_174, %add3A, %dma_wait3A_168, %dma_wait3A_175, %dma_wait3A_176] : memref<2x32x28x3x120xi32, #tpu.memory_space<hbm>> -> memref<2x1x1x3x120xi32, #tpu.memory_space<hbm>>
      %dma_wait3A_178 = tpu.memref_squeeze %dma_wait3A_177 : memref<2x1x1x3x120xi32, #tpu.memory_space<hbm>> -> memref<2x3x120xi32, #tpu.memory_space<hbm>>
      tpu.wait_dma2 semaphore(%arg15 : memref<!tpu.dma_semaphore, #tpu.memory_space<semaphore_mem>>) src(%dma_wait3A_178 : memref<2x3x120xi32, #tpu.memory_space<hbm>>) dst(%arg10 : memref<2x3x120xi32, #tpu.memory_space<vmem>>)
      %dma_start3A_179 = arith.constant 0 : i32
      %dma_start3A_180 = arith.constant 0 : i32
      %dma_start3A_181 = arith.constant 0 : i32
      %dma_start3A_182 = tpu.memref_slice %arg10[%dma_start3A_179, %dma_start3A_180, %dma_start3A_181] : memref<2x3x120xi32, #tpu.memory_space<vmem>> -> memref<1x1x120xi32, #tpu.memory_space<vmem>>
      %dma_start3A_183 = tpu.memref_squeeze %dma_start3A_182 : memref<1x1x120xi32, #tpu.memory_space<vmem>> -> memref<120xi32, #tpu.memory_space<vmem>>
      %dma_start3A_184 = arith.constant 0 : i32
      %dma_start3A_185 = arith.constant 0 : i32
      %dma_start3A_186 = tpu.memref_slice %arg2[%dma_start3A_184, %dma_start3A_185] : memref<10000x128xf32, #tpu.memory_space<hbm>> -> memref<10000x128xf32, #tpu.memory_space<hbm>>
      tpu.enqueue_indirect_dma source(%dma_start3A_186 : memref<10000x128xf32, #tpu.memory_space<hbm>>) target(%arg6 : memref<120x128xf32, #tpu.memory_space<vmem>>) offsets(%dma_start3A_183 : memref<120xi32, #tpu.memory_space<vmem>>) semaphore(%arg11 : memref<!tpu.dma_semaphore, #tpu.memory_space<semaphore_mem>>)
      %run_scoped3A_187 = arith.constant 1 : i32
      %run_scoped3A_188 = arith.constant 2 : i32
      "tpu.region"() ({
        %run_scoped3A_316 = tpu.sem_alloc : memref<!tpu.dma_semaphore, #tpu.memory_space<semaphore_mem>>
        %dma_start3A_317 = arith.constant 0 : i32
        %dma_start3A_318 = tpu.memref_slice %arg9[%run_scoped3A_187, %run_scoped3A_188, %dma_start3A_317] : memref<2x3x120xi32, #tpu.memory_space<vmem>> -> memref<1x1x120xi32, #tpu.memory_space<vmem>>
        %dma_start3A_319 = tpu.memref_squeeze %dma_start3A_318 : memref<1x1x120xi32, #tpu.memory_space<vmem>> -> memref<120xi32, #tpu.memory_space<vmem>>
        %dma_start3A_320 = arith.constant 0 : i32
        %dma_start3A_321 = arith.constant 0 : i32
        %dma_start3A_322 = tpu.memref_slice %arg5[%dma_start3A_320, %dma_start3A_321] : memref<10112x128xf32, #tpu.memory_space<vmem_shared>> -> memref<10112x128xf32, #tpu.memory_space<vmem_shared>>
        tpu.enqueue_indirect_dma source(%arg7 : memref<120x128xf32, #tpu.memory_space<vmem>>) target(%dma_start3A_322 : memref<10112x128xf32, #tpu.memory_space<vmem_shared>>) offsets(%dma_start3A_319 : memref<120xi32, #tpu.memory_space<vmem>>) semaphore(%run_scoped3A_316 : memref<!tpu.dma_semaphore, #tpu.memory_space<semaphore_mem>>) {add = true}
        %dma_wait3A_323 = arith.constant 0 : i32
        %dma_wait3A_324 = tpu.memref_slice %arg9[%run_scoped3A_187, %run_scoped3A_188, %dma_wait3A_323] : memref<2x3x120xi32, #tpu.memory_space<vmem>> -> memref<1x1x120xi32, #tpu.memory_space<vmem>>
        %dma_wait3A_325 = tpu.memref_squeeze %dma_wait3A_324 : memref<1x1x120xi32, #tpu.memory_space<vmem>> -> memref<120xi32, #tpu.memory_space<vmem>>
        %dma_wait3A_326 = arith.constant 0 : i32
        %dma_wait3A_327 = arith.constant 0 : i32
        %dma_wait3A_328 = tpu.memref_slice %arg5[%dma_wait3A_326, %dma_wait3A_327] : memref<10112x128xf32, #tpu.memory_space<vmem_shared>> -> memref<10112x128xf32, #tpu.memory_space<vmem_shared>>
        tpu.wait_indirect_dma semaphore(%run_scoped3A_316 : memref<!tpu.dma_semaphore, #tpu.memory_space<semaphore_mem>>) src(%arg7 : memref<120x128xf32, #tpu.memory_space<vmem>>) dst(%dma_wait3A_328 : memref<10112x128xf32, #tpu.memory_space<vmem_shared>>)
        tpu.yield
      }) : () -> ()
      %dma_wait3A_189 = arith.constant 1 : i32
      %dma_wait3A_190 = arith.constant 2 : i32
      %dma_wait3A_191 = arith.constant 0 : i32
      %dma_wait3A_192 = tpu.memref_slice %arg9[%dma_wait3A_189, %dma_wait3A_190, %dma_wait3A_191] : memref<2x3x120xi32, #tpu.memory_space<vmem>> -> memref<1x1x120xi32, #tpu.memory_space<vmem>>
      %dma_wait3A_193 = tpu.memref_squeeze %dma_wait3A_192 : memref<1x1x120xi32, #tpu.memory_space<vmem>> -> memref<120xi32, #tpu.memory_space<vmem>>
      %dma_wait3A_194 = arith.constant 0 : i32
      %dma_wait3A_195 = arith.constant 0 : i32
      %dma_wait3A_196 = tpu.memref_slice %arg2[%dma_wait3A_194, %dma_wait3A_195] : memref<10000x128xf32, #tpu.memory_space<hbm>> -> memref<10000x128xf32, #tpu.memory_space<hbm>>
      tpu.wait_indirect_dma semaphore(%arg13 : memref<!tpu.dma_semaphore, #tpu.memory_space<semaphore_mem>>) src(%dma_wait3A_196 : memref<10000x128xf32, #tpu.memory_space<hbm>>) dst(%arg8 : memref<120x128xf32, #tpu.memory_space<vmem>>)
      %dma_start3A_197 = arith.constant 1 : i32
      %dma_start3A_198 = arith.constant 0 : i32
      %dma_start3A_199 = arith.constant 0 : i32
      %dma_start3A_200 = tpu.memref_slice %arg10[%dma_start3A_197, %dma_start3A_198, %dma_start3A_199] : memref<2x3x120xi32, #tpu.memory_space<vmem>> -> memref<1x1x120xi32, #tpu.memory_space<vmem>>
      %dma_start3A_201 = tpu.memref_squeeze %dma_start3A_200 : memref<1x1x120xi32, #tpu.memory_space<vmem>> -> memref<120xi32, #tpu.memory_space<vmem>>
      %dma_start3A_202 = arith.constant 0 : i32
      %dma_start3A_203 = arith.constant 0 : i32
      %dma_start3A_204 = tpu.memref_slice %arg2[%dma_start3A_202, %dma_start3A_203] : memref<10000x128xf32, #tpu.memory_space<hbm>> -> memref<10000x128xf32, #tpu.memory_space<hbm>>
      tpu.enqueue_indirect_dma source(%dma_start3A_204 : memref<10000x128xf32, #tpu.memory_space<hbm>>) target(%arg7 : memref<120x128xf32, #tpu.memory_space<vmem>>) offsets(%dma_start3A_201 : memref<120xi32, #tpu.memory_space<vmem>>) semaphore(%arg12 : memref<!tpu.dma_semaphore, #tpu.memory_space<semaphore_mem>>)
      %run_scoped3A_205 = arith.constant 0 : i32
      %run_scoped3A_206 = arith.constant 2 : i32
      "tpu.region"() ({
        %run_scoped3A_316 = tpu.sem_alloc : memref<!tpu.dma_semaphore, #tpu.memory_space<semaphore_mem>>
        %dma_start3A_317 = arith.constant 0 : i32
        %dma_start3A_318 = tpu.memref_slice %arg9[%run_scoped3A_205, %run_scoped3A_206, %dma_start3A_317] : memref<2x3x120xi32, #tpu.memory_space<vmem>> -> memref<1x1x120xi32, #tpu.memory_space<vmem>>
        %dma_start3A_319 = tpu.memref_squeeze %dma_start3A_318 : memref<1x1x120xi32, #tpu.memory_space<vmem>> -> memref<120xi32, #tpu.memory_space<vmem>>
        %dma_start3A_320 = arith.constant 0 : i32
        %dma_start3A_321 = arith.constant 0 : i32
        %dma_start3A_322 = tpu.memref_slice %arg5[%dma_start3A_320, %dma_start3A_321] : memref<10112x128xf32, #tpu.memory_space<vmem_shared>> -> memref<10112x128xf32, #tpu.memory_space<vmem_shared>>
        tpu.enqueue_indirect_dma source(%arg8 : memref<120x128xf32, #tpu.memory_space<vmem>>) target(%dma_start3A_322 : memref<10112x128xf32, #tpu.memory_space<vmem_shared>>) offsets(%dma_start3A_319 : memref<120xi32, #tpu.memory_space<vmem>>) semaphore(%run_scoped3A_316 : memref<!tpu.dma_semaphore, #tpu.memory_space<semaphore_mem>>) {add = true}
        %dma_wait3A_323 = arith.constant 0 : i32
        %dma_wait3A_324 = tpu.memref_slice %arg9[%run_scoped3A_205, %run_scoped3A_206, %dma_wait3A_323] : memref<2x3x120xi32, #tpu.memory_space<vmem>> -> memref<1x1x120xi32, #tpu.memory_space<vmem>>
        %dma_wait3A_325 = tpu.memref_squeeze %dma_wait3A_324 : memref<1x1x120xi32, #tpu.memory_space<vmem>> -> memref<120xi32, #tpu.memory_space<vmem>>
        %dma_wait3A_326 = arith.constant 0 : i32
        %dma_wait3A_327 = arith.constant 0 : i32
        %dma_wait3A_328 = tpu.memref_slice %arg5[%dma_wait3A_326, %dma_wait3A_327] : memref<10112x128xf32, #tpu.memory_space<vmem_shared>> -> memref<10112x128xf32, #tpu.memory_space<vmem_shared>>
        tpu.wait_indirect_dma semaphore(%run_scoped3A_316 : memref<!tpu.dma_semaphore, #tpu.memory_space<semaphore_mem>>) src(%arg8 : memref<120x128xf32, #tpu.memory_space<vmem>>) dst(%dma_wait3A_328 : memref<10112x128xf32, #tpu.memory_space<vmem_shared>>)
        tpu.yield
      }) : () -> ()
      %lt3A = arith.constant 13 : i32
      %lt3A_207 = arith.cmpi slt, %scan3A_88, %lt3A : i32
      %convert_element_type3A = arith.extui %lt3A_207 : i1 to i32
      %cond3A = arith.constant 0 : i32
      %cond3A_208 = arith.cmpi ne, %convert_element_type3A, %cond3A : i32
      scf.if %cond3A_208 {
        %mul3A_316 = arith.constant 2 : i32
        %mul3A_317 = arith.muli %mul3A_316, %scan3A_88 : i32
        %add3A_318 = arith.constant 2 : i32
        %add3A_319 = arith.addi %mul3A_317, %add3A_318 : i32
        %dma_start3A_320 = arith.constant 0 : i32
        %dma_start3A_321 = arith.constant 0 : i32
        %dma_start3A_322 = arith.constant 0 : i32
        %dma_start3A_323 = tpu.memref_slice %arg3[%dma_start3A_320, %add3A, %add3A_319, %dma_start3A_321, %dma_start3A_322] : memref<2x32x28x3x120xi32, #tpu.memory_space<hbm>> -> memref<2x1x1x3x120xi32, #tpu.memory_space<hbm>>
        %dma_start3A_324 = tpu.memref_squeeze %dma_start3A_323 : memref<2x1x1x3x120xi32, #tpu.memory_space<hbm>> -> memref<2x3x120xi32, #tpu.memory_space<hbm>>
        %dma_start3A_325 = arith.constant 0 : i32
        %dma_start3A_326 = arith.constant 0 : i32
        %dma_start3A_327 = arith.constant 0 : i32
        %dma_start3A_328 = tpu.memref_slice %arg3[%dma_start3A_325, %add3A, %add3A_319, %dma_start3A_326, %dma_start3A_327] : memref<2x32x28x3x120xi32, #tpu.memory_space<hbm>> -> memref<2x1x1x3x120xi32, #tpu.memory_space<hbm>>
        %dma_start3A_329 = tpu.memref_squeeze %dma_start3A_328 : memref<2x1x1x3x120xi32, #tpu.memory_space<hbm>> -> memref<2x3x120xi32, #tpu.memory_space<hbm>>
        tpu.enqueue_dma source(%dma_start3A_329 : memref<2x3x120xi32, #tpu.memory_space<hbm>>) target(%arg9 : memref<2x3x120xi32, #tpu.memory_space<vmem>>) target_semaphore(%arg14 : memref<!tpu.dma_semaphore, #tpu.memory_space<semaphore_mem>>)
      } else {
      }
      %dma_wait3A_209 = arith.constant 0 : i32
      %dma_wait3A_210 = arith.constant 0 : i32
      %dma_wait3A_211 = arith.constant 0 : i32
      %dma_wait3A_212 = tpu.memref_slice %arg10[%dma_wait3A_209, %dma_wait3A_210, %dma_wait3A_211] : memref<2x3x120xi32, #tpu.memory_space<vmem>> -> memref<1x1x120xi32, #tpu.memory_space<vmem>>
      %dma_wait3A_213 = tpu.memref_squeeze %dma_wait3A_212 : memref<1x1x120xi32, #tpu.memory_space<vmem>> -> memref<120xi32, #tpu.memory_space<vmem>>
      %dma_wait3A_214 = arith.constant 0 : i32
      %dma_wait3A_215 = arith.constant 0 : i32
      %dma_wait3A_216 = tpu.memref_slice %arg2[%dma_wait3A_214, %dma_wait3A_215] : memref<10000x128xf32, #tpu.memory_space<hbm>> -> memref<10000x128xf32, #tpu.memory_space<hbm>>
      tpu.wait_indirect_dma semaphore(%arg11 : memref<!tpu.dma_semaphore, #tpu.memory_space<semaphore_mem>>) src(%dma_wait3A_216 : memref<10000x128xf32, #tpu.memory_space<hbm>>) dst(%arg6 : memref<120x128xf32, #tpu.memory_space<vmem>>)
      %dma_start3A_217 = arith.constant 0 : i32
      %dma_start3A_218 = arith.constant 1 : i32
      %dma_start3A_219 = arith.constant 0 : i32
      %dma_start3A_220 = tpu.memref_slice %arg10[%dma_start3A_217, %dma_start3A_218, %dma_start3A_219] : memref<2x3x120xi32, #tpu.memory_space<vmem>> -> memref<1x1x120xi32, #tpu.memory_space<vmem>>
      %dma_start3A_221 = tpu.memref_squeeze %dma_start3A_220 : memref<1x1x120xi32, #tpu.memory_space<vmem>> -> memref<120xi32, #tpu.memory_space<vmem>>
      %dma_start3A_222 = arith.constant 0 : i32
      %dma_start3A_223 = arith.constant 0 : i32
      %dma_start3A_224 = tpu.memref_slice %arg2[%dma_start3A_222, %dma_start3A_223] : memref<10000x128xf32, #tpu.memory_space<hbm>> -> memref<10000x128xf32, #tpu.memory_space<hbm>>
      tpu.enqueue_indirect_dma source(%dma_start3A_224 : memref<10000x128xf32, #tpu.memory_space<hbm>>) target(%arg8 : memref<120x128xf32, #tpu.memory_space<vmem>>) offsets(%dma_start3A_221 : memref<120xi32, #tpu.memory_space<vmem>>) semaphore(%arg13 : memref<!tpu.dma_semaphore, #tpu.memory_space<semaphore_mem>>)
      %run_scoped3A_225 = arith.constant 1 : i32
      %run_scoped3A_226 = arith.constant 0 : i32
      "tpu.region"() ({
        %run_scoped3A_316 = tpu.sem_alloc : memref<!tpu.dma_semaphore, #tpu.memory_space<semaphore_mem>>
        %dma_start3A_317 = arith.constant 0 : i32
        %dma_start3A_318 = tpu.memref_slice %arg10[%run_scoped3A_225, %run_scoped3A_226, %dma_start3A_317] : memref<2x3x120xi32, #tpu.memory_space<vmem>> -> memref<1x1x120xi32, #tpu.memory_space<vmem>>
        %dma_start3A_319 = tpu.memref_squeeze %dma_start3A_318 : memref<1x1x120xi32, #tpu.memory_space<vmem>> -> memref<120xi32, #tpu.memory_space<vmem>>
        %dma_start3A_320 = arith.constant 0 : i32
        %dma_start3A_321 = arith.constant 0 : i32
        %dma_start3A_322 = tpu.memref_slice %arg5[%dma_start3A_320, %dma_start3A_321] : memref<10112x128xf32, #tpu.memory_space<vmem_shared>> -> memref<10112x128xf32, #tpu.memory_space<vmem_shared>>
        tpu.enqueue_indirect_dma source(%arg6 : memref<120x128xf32, #tpu.memory_space<vmem>>) target(%dma_start3A_322 : memref<10112x128xf32, #tpu.memory_space<vmem_shared>>) offsets(%dma_start3A_319 : memref<120xi32, #tpu.memory_space<vmem>>) semaphore(%run_scoped3A_316 : memref<!tpu.dma_semaphore, #tpu.memory_space<semaphore_mem>>) {add = true}
        %dma_wait3A_323 = arith.constant 0 : i32
        %dma_wait3A_324 = tpu.memref_slice %arg10[%run_scoped3A_225, %run_scoped3A_226, %dma_wait3A_323] : memref<2x3x120xi32, #tpu.memory_space<vmem>> -> memref<1x1x120xi32, #tpu.memory_space<vmem>>
        %dma_wait3A_325 = tpu.memref_squeeze %dma_wait3A_324 : memref<1x1x120xi32, #tpu.memory_space<vmem>> -> memref<120xi32, #tpu.memory_space<vmem>>
        %dma_wait3A_326 = arith.constant 0 : i32
        %dma_wait3A_327 = arith.constant 0 : i32
        %dma_wait3A_328 = tpu.memref_slice %arg5[%dma_wait3A_326, %dma_wait3A_327] : memref<10112x128xf32, #tpu.memory_space<vmem_shared>> -> memref<10112x128xf32, #tpu.memory_space<vmem_shared>>
        tpu.wait_indirect_dma semaphore(%run_scoped3A_316 : memref<!tpu.dma_semaphore, #tpu.memory_space<semaphore_mem>>) src(%arg6 : memref<120x128xf32, #tpu.memory_space<vmem>>) dst(%dma_wait3A_328 : memref<10112x128xf32, #tpu.memory_space<vmem_shared>>)
        tpu.yield
      }) : () -> ()
      %dma_wait3A_227 = arith.constant 1 : i32
      %dma_wait3A_228 = arith.constant 0 : i32
      %dma_wait3A_229 = arith.constant 0 : i32
      %dma_wait3A_230 = tpu.memref_slice %arg10[%dma_wait3A_227, %dma_wait3A_228, %dma_wait3A_229] : memref<2x3x120xi32, #tpu.memory_space<vmem>> -> memref<1x1x120xi32, #tpu.memory_space<vmem>>
      %dma_wait3A_231 = tpu.memref_squeeze %dma_wait3A_230 : memref<1x1x120xi32, #tpu.memory_space<vmem>> -> memref<120xi32, #tpu.memory_space<vmem>>
      %dma_wait3A_232 = arith.constant 0 : i32
      %dma_wait3A_233 = arith.constant 0 : i32
      %dma_wait3A_234 = tpu.memref_slice %arg2[%dma_wait3A_232, %dma_wait3A_233] : memref<10000x128xf32, #tpu.memory_space<hbm>> -> memref<10000x128xf32, #tpu.memory_space<hbm>>
      tpu.wait_indirect_dma semaphore(%arg12 : memref<!tpu.dma_semaphore, #tpu.memory_space<semaphore_mem>>) src(%dma_wait3A_234 : memref<10000x128xf32, #tpu.memory_space<hbm>>) dst(%arg7 : memref<120x128xf32, #tpu.memory_space<vmem>>)
      %dma_start3A_235 = arith.constant 1 : i32
      %dma_start3A_236 = arith.constant 1 : i32
      %dma_start3A_237 = arith.constant 0 : i32
      %dma_start3A_238 = tpu.memref_slice %arg10[%dma_start3A_235, %dma_start3A_236, %dma_start3A_237] : memref<2x3x120xi32, #tpu.memory_space<vmem>> -> memref<1x1x120xi32, #tpu.memory_space<vmem>>
      %dma_start3A_239 = tpu.memref_squeeze %dma_start3A_238 : memref<1x1x120xi32, #tpu.memory_space<vmem>> -> memref<120xi32, #tpu.memory_space<vmem>>
      %dma_start3A_240 = arith.constant 0 : i32
      %dma_start3A_241 = arith.constant 0 : i32
      %dma_start3A_242 = tpu.memref_slice %arg2[%dma_start3A_240, %dma_start3A_241] : memref<10000x128xf32, #tpu.memory_space<hbm>> -> memref<10000x128xf32, #tpu.memory_space<hbm>>
      tpu.enqueue_indirect_dma source(%dma_start3A_242 : memref<10000x128xf32, #tpu.memory_space<hbm>>) target(%arg6 : memref<120x128xf32, #tpu.memory_space<vmem>>) offsets(%dma_start3A_239 : memref<120xi32, #tpu.memory_space<vmem>>) semaphore(%arg11 : memref<!tpu.dma_semaphore, #tpu.memory_space<semaphore_mem>>)
      %run_scoped3A_243 = arith.constant 0 : i32
      %run_scoped3A_244 = arith.constant 0 : i32
      "tpu.region"() ({
        %run_scoped3A_316 = tpu.sem_alloc : memref<!tpu.dma_semaphore, #tpu.memory_space<semaphore_mem>>
        %dma_start3A_317 = arith.constant 0 : i32
        %dma_start3A_318 = tpu.memref_slice %arg10[%run_scoped3A_243, %run_scoped3A_244, %dma_start3A_317] : memref<2x3x120xi32, #tpu.memory_space<vmem>> -> memref<1x1x120xi32, #tpu.memory_space<vmem>>
        %dma_start3A_319 = tpu.memref_squeeze %dma_start3A_318 : memref<1x1x120xi32, #tpu.memory_space<vmem>> -> memref<120xi32, #tpu.memory_space<vmem>>
        %dma_start3A_320 = arith.constant 0 : i32
        %dma_start3A_321 = arith.constant 0 : i32
        %dma_start3A_322 = tpu.memref_slice %arg5[%dma_start3A_320, %dma_start3A_321] : memref<10112x128xf32, #tpu.memory_space<vmem_shared>> -> memref<10112x128xf32, #tpu.memory_space<vmem_shared>>
        tpu.enqueue_indirect_dma source(%arg7 : memref<120x128xf32, #tpu.memory_space<vmem>>) target(%dma_start3A_322 : memref<10112x128xf32, #tpu.memory_space<vmem_shared>>) offsets(%dma_start3A_319 : memref<120xi32, #tpu.memory_space<vmem>>) semaphore(%run_scoped3A_316 : memref<!tpu.dma_semaphore, #tpu.memory_space<semaphore_mem>>) {add = true}
        %dma_wait3A_323 = arith.constant 0 : i32
        %dma_wait3A_324 = tpu.memref_slice %arg10[%run_scoped3A_243, %run_scoped3A_244, %dma_wait3A_323] : memref<2x3x120xi32, #tpu.memory_space<vmem>> -> memref<1x1x120xi32, #tpu.memory_space<vmem>>
        %dma_wait3A_325 = tpu.memref_squeeze %dma_wait3A_324 : memref<1x1x120xi32, #tpu.memory_space<vmem>> -> memref<120xi32, #tpu.memory_space<vmem>>
        %dma_wait3A_326 = arith.constant 0 : i32
        %dma_wait3A_327 = arith.constant 0 : i32
        %dma_wait3A_328 = tpu.memref_slice %arg5[%dma_wait3A_326, %dma_wait3A_327] : memref<10112x128xf32, #tpu.memory_space<vmem_shared>> -> memref<10112x128xf32, #tpu.memory_space<vmem_shared>>
        tpu.wait_indirect_dma semaphore(%run_scoped3A_316 : memref<!tpu.dma_semaphore, #tpu.memory_space<semaphore_mem>>) src(%arg7 : memref<120x128xf32, #tpu.memory_space<vmem>>) dst(%dma_wait3A_328 : memref<10112x128xf32, #tpu.memory_space<vmem_shared>>)
        tpu.yield
      }) : () -> ()
      %dma_wait3A_245 = arith.constant 0 : i32
      %dma_wait3A_246 = arith.constant 1 : i32
      %dma_wait3A_247 = arith.constant 0 : i32
      %dma_wait3A_248 = tpu.memref_slice %arg10[%dma_wait3A_245, %dma_wait3A_246, %dma_wait3A_247] : memref<2x3x120xi32, #tpu.memory_space<vmem>> -> memref<1x1x120xi32, #tpu.memory_space<vmem>>
      %dma_wait3A_249 = tpu.memref_squeeze %dma_wait3A_248 : memref<1x1x120xi32, #tpu.memory_space<vmem>> -> memref<120xi32, #tpu.memory_space<vmem>>
      %dma_wait3A_250 = arith.constant 0 : i32
      %dma_wait3A_251 = arith.constant 0 : i32
      %dma_wait3A_252 = tpu.memref_slice %arg2[%dma_wait3A_250, %dma_wait3A_251] : memref<10000x128xf32, #tpu.memory_space<hbm>> -> memref<10000x128xf32, #tpu.memory_space<hbm>>
      tpu.wait_indirect_dma semaphore(%arg13 : memref<!tpu.dma_semaphore, #tpu.memory_space<semaphore_mem>>) src(%dma_wait3A_252 : memref<10000x128xf32, #tpu.memory_space<hbm>>) dst(%arg8 : memref<120x128xf32, #tpu.memory_space<vmem>>)
      %dma_start3A_253 = arith.constant 0 : i32
      %dma_start3A_254 = arith.constant 2 : i32
      %dma_start3A_255 = arith.constant 0 : i32
      %dma_start3A_256 = tpu.memref_slice %arg10[%dma_start3A_253, %dma_start3A_254, %dma_start3A_255] : memref<2x3x120xi32, #tpu.memory_space<vmem>> -> memref<1x1x120xi32, #tpu.memory_space<vmem>>
      %dma_start3A_257 = tpu.memref_squeeze %dma_start3A_256 : memref<1x1x120xi32, #tpu.memory_space<vmem>> -> memref<120xi32, #tpu.memory_space<vmem>>
      %dma_start3A_258 = arith.constant 0 : i32
      %dma_start3A_259 = arith.constant 0 : i32
      %dma_start3A_260 = tpu.memref_slice %arg2[%dma_start3A_258, %dma_start3A_259] : memref<10000x128xf32, #tpu.memory_space<hbm>> -> memref<10000x128xf32, #tpu.memory_space<hbm>>
      tpu.enqueue_indirect_dma source(%dma_start3A_260 : memref<10000x128xf32, #tpu.memory_space<hbm>>) target(%arg7 : memref<120x128xf32, #tpu.memory_space<vmem>>) offsets(%dma_start3A_257 : memref<120xi32, #tpu.memory_space<vmem>>) semaphore(%arg12 : memref<!tpu.dma_semaphore, #tpu.memory_space<semaphore_mem>>)
      %run_scoped3A_261 = arith.constant 1 : i32
      %run_scoped3A_262 = arith.constant 1 : i32
      "tpu.region"() ({
        %run_scoped3A_316 = tpu.sem_alloc : memref<!tpu.dma_semaphore, #tpu.memory_space<semaphore_mem>>
        %dma_start3A_317 = arith.constant 0 : i32
        %dma_start3A_318 = tpu.memref_slice %arg10[%run_scoped3A_261, %run_scoped3A_262, %dma_start3A_317] : memref<2x3x120xi32, #tpu.memory_space<vmem>> -> memref<1x1x120xi32, #tpu.memory_space<vmem>>
        %dma_start3A_319 = tpu.memref_squeeze %dma_start3A_318 : memref<1x1x120xi32, #tpu.memory_space<vmem>> -> memref<120xi32, #tpu.memory_space<vmem>>
        %dma_start3A_320 = arith.constant 0 : i32
        %dma_start3A_321 = arith.constant 0 : i32
        %dma_start3A_322 = tpu.memref_slice %arg5[%dma_start3A_320, %dma_start3A_321] : memref<10112x128xf32, #tpu.memory_space<vmem_shared>> -> memref<10112x128xf32, #tpu.memory_space<vmem_shared>>
        tpu.enqueue_indirect_dma source(%arg8 : memref<120x128xf32, #tpu.memory_space<vmem>>) target(%dma_start3A_322 : memref<10112x128xf32, #tpu.memory_space<vmem_shared>>) offsets(%dma_start3A_319 : memref<120xi32, #tpu.memory_space<vmem>>) semaphore(%run_scoped3A_316 : memref<!tpu.dma_semaphore, #tpu.memory_space<semaphore_mem>>) {add = true}
        %dma_wait3A_323 = arith.constant 0 : i32
        %dma_wait3A_324 = tpu.memref_slice %arg10[%run_scoped3A_261, %run_scoped3A_262, %dma_wait3A_323] : memref<2x3x120xi32, #tpu.memory_space<vmem>> -> memref<1x1x120xi32, #tpu.memory_space<vmem>>
        %dma_wait3A_325 = tpu.memref_squeeze %dma_wait3A_324 : memref<1x1x120xi32, #tpu.memory_space<vmem>> -> memref<120xi32, #tpu.memory_space<vmem>>
        %dma_wait3A_326 = arith.constant 0 : i32
        %dma_wait3A_327 = arith.constant 0 : i32
        %dma_wait3A_328 = tpu.memref_slice %arg5[%dma_wait3A_326, %dma_wait3A_327] : memref<10112x128xf32, #tpu.memory_space<vmem_shared>> -> memref<10112x128xf32, #tpu.memory_space<vmem_shared>>
        tpu.wait_indirect_dma semaphore(%run_scoped3A_316 : memref<!tpu.dma_semaphore, #tpu.memory_space<semaphore_mem>>) src(%arg8 : memref<120x128xf32, #tpu.memory_space<vmem>>) dst(%dma_wait3A_328 : memref<10112x128xf32, #tpu.memory_space<vmem_shared>>)
        tpu.yield
      }) : () -> ()
      %dma_wait3A_263 = arith.constant 1 : i32
      %dma_wait3A_264 = arith.constant 1 : i32
      %dma_wait3A_265 = arith.constant 0 : i32
      %dma_wait3A_266 = tpu.memref_slice %arg10[%dma_wait3A_263, %dma_wait3A_264, %dma_wait3A_265] : memref<2x3x120xi32, #tpu.memory_space<vmem>> -> memref<1x1x120xi32, #tpu.memory_space<vmem>>
      %dma_wait3A_267 = tpu.memref_squeeze %dma_wait3A_266 : memref<1x1x120xi32, #tpu.memory_space<vmem>> -> memref<120xi32, #tpu.memory_space<vmem>>
      %dma_wait3A_268 = arith.constant 0 : i32
      %dma_wait3A_269 = arith.constant 0 : i32
      %dma_wait3A_270 = tpu.memref_slice %arg2[%dma_wait3A_268, %dma_wait3A_269] : memref<10000x128xf32, #tpu.memory_space<hbm>> -> memref<10000x128xf32, #tpu.memory_space<hbm>>
      tpu.wait_indirect_dma semaphore(%arg11 : memref<!tpu.dma_semaphore, #tpu.memory_space<semaphore_mem>>) src(%dma_wait3A_270 : memref<10000x128xf32, #tpu.memory_space<hbm>>) dst(%arg6 : memref<120x128xf32, #tpu.memory_space<vmem>>)
      %dma_start3A_271 = arith.constant 1 : i32
      %dma_start3A_272 = arith.constant 2 : i32
      %dma_start3A_273 = arith.constant 0 : i32
      %dma_start3A_274 = tpu.memref_slice %arg10[%dma_start3A_271, %dma_start3A_272, %dma_start3A_273] : memref<2x3x120xi32, #tpu.memory_space<vmem>> -> memref<1x1x120xi32, #tpu.memory_space<vmem>>
      %dma_start3A_275 = tpu.memref_squeeze %dma_start3A_274 : memref<1x1x120xi32, #tpu.memory_space<vmem>> -> memref<120xi32, #tpu.memory_space<vmem>>
      %dma_start3A_276 = arith.constant 0 : i32
      %dma_start3A_277 = arith.constant 0 : i32
      %dma_start3A_278 = tpu.memref_slice %arg2[%dma_start3A_276, %dma_start3A_277] : memref<10000x128xf32, #tpu.memory_space<hbm>> -> memref<10000x128xf32, #tpu.memory_space<hbm>>
      tpu.enqueue_indirect_dma source(%dma_start3A_278 : memref<10000x128xf32, #tpu.memory_space<hbm>>) target(%arg8 : memref<120x128xf32, #tpu.memory_space<vmem>>) offsets(%dma_start3A_275 : memref<120xi32, #tpu.memory_space<vmem>>) semaphore(%arg13 : memref<!tpu.dma_semaphore, #tpu.memory_space<semaphore_mem>>)
      %run_scoped3A_279 = arith.constant 0 : i32
      %run_scoped3A_280 = arith.constant 1 : i32
      "tpu.region"() ({
        %run_scoped3A_316 = tpu.sem_alloc : memref<!tpu.dma_semaphore, #tpu.memory_space<semaphore_mem>>
        %dma_start3A_317 = arith.constant 0 : i32
        %dma_start3A_318 = tpu.memref_slice %arg10[%run_scoped3A_279, %run_scoped3A_280, %dma_start3A_317] : memref<2x3x120xi32, #tpu.memory_space<vmem>> -> memref<1x1x120xi32, #tpu.memory_space<vmem>>
        %dma_start3A_319 = tpu.memref_squeeze %dma_start3A_318 : memref<1x1x120xi32, #tpu.memory_space<vmem>> -> memref<120xi32, #tpu.memory_space<vmem>>
        %dma_start3A_320 = arith.constant 0 : i32
        %dma_start3A_321 = arith.constant 0 : i32
        %dma_start3A_322 = tpu.memref_slice %arg5[%dma_start3A_320, %dma_start3A_321] : memref<10112x128xf32, #tpu.memory_space<vmem_shared>> -> memref<10112x128xf32, #tpu.memory_space<vmem_shared>>
        tpu.enqueue_indirect_dma source(%arg6 : memref<120x128xf32, #tpu.memory_space<vmem>>) target(%dma_start3A_322 : memref<10112x128xf32, #tpu.memory_space<vmem_shared>>) offsets(%dma_start3A_319 : memref<120xi32, #tpu.memory_space<vmem>>) semaphore(%run_scoped3A_316 : memref<!tpu.dma_semaphore, #tpu.memory_space<semaphore_mem>>) {add = true}
        %dma_wait3A_323 = arith.constant 0 : i32
        %dma_wait3A_324 = tpu.memref_slice %arg10[%run_scoped3A_279, %run_scoped3A_280, %dma_wait3A_323] : memref<2x3x120xi32, #tpu.memory_space<vmem>> -> memref<1x1x120xi32, #tpu.memory_space<vmem>>
        %dma_wait3A_325 = tpu.memref_squeeze %dma_wait3A_324 : memref<1x1x120xi32, #tpu.memory_space<vmem>> -> memref<120xi32, #tpu.memory_space<vmem>>
        %dma_wait3A_326 = arith.constant 0 : i32
        %dma_wait3A_327 = arith.constant 0 : i32
        %dma_wait3A_328 = tpu.memref_slice %arg5[%dma_wait3A_326, %dma_wait3A_327] : memref<10112x128xf32, #tpu.memory_space<vmem_shared>> -> memref<10112x128xf32, #tpu.memory_space<vmem_shared>>
        tpu.wait_indirect_dma semaphore(%run_scoped3A_316 : memref<!tpu.dma_semaphore, #tpu.memory_space<semaphore_mem>>) src(%arg6 : memref<120x128xf32, #tpu.memory_space<vmem>>) dst(%dma_wait3A_328 : memref<10112x128xf32, #tpu.memory_space<vmem_shared>>)
        tpu.yield
      }) : () -> ()
      %dma_wait3A_281 = arith.constant 0 : i32
      %dma_wait3A_282 = arith.constant 2 : i32
      %dma_wait3A_283 = arith.constant 0 : i32
      %dma_wait3A_284 = tpu.memref_slice %arg10[%dma_wait3A_281, %dma_wait3A_282, %dma_wait3A_283] : memref<2x3x120xi32, #tpu.memory_space<vmem>> -> memref<1x1x120xi32, #tpu.memory_space<vmem>>
      %dma_wait3A_285 = tpu.memref_squeeze %dma_wait3A_284 : memref<1x1x120xi32, #tpu.memory_space<vmem>> -> memref<120xi32, #tpu.memory_space<vmem>>
      %dma_wait3A_286 = arith.constant 0 : i32
      %dma_wait3A_287 = arith.constant 0 : i32
      %dma_wait3A_288 = tpu.memref_slice %arg2[%dma_wait3A_286, %dma_wait3A_287] : memref<10000x128xf32, #tpu.memory_space<hbm>> -> memref<10000x128xf32, #tpu.memory_space<hbm>>
      tpu.wait_indirect_dma semaphore(%arg12 : memref<!tpu.dma_semaphore, #tpu.memory_space<semaphore_mem>>) src(%dma_wait3A_288 : memref<10000x128xf32, #tpu.memory_space<hbm>>) dst(%arg7 : memref<120x128xf32, #tpu.memory_space<vmem>>)
      %lt3A_289 = arith.constant 13 : i32
      %lt3A_290 = arith.cmpi slt, %scan3A_88, %lt3A_289 : i32
      %convert_element_type3A_291 = arith.extui %lt3A_290 : i1 to i32
      %cond3A_292 = arith.constant 0 : i32
      %cond3A_293 = arith.cmpi ne, %convert_element_type3A_291, %cond3A_292 : i32
      scf.if %cond3A_293 {
        %dma_wait3A_316 = arith.constant 0 : i32
        %dma_wait3A_317 = arith.constant 0 : i32
        %dma_wait3A_318 = arith.constant 0 : i32
        %dma_wait3A_319 = arith.constant 0 : i32
        %dma_wait3A_320 = tpu.memref_slice %arg3[%dma_wait3A_317, %add3A, %dma_wait3A_316, %dma_wait3A_318, %dma_wait3A_319] : memref<2x32x28x3x120xi32, #tpu.memory_space<hbm>> -> memref<2x1x1x3x120xi32, #tpu.memory_space<hbm>>
        %dma_wait3A_321 = tpu.memref_squeeze %dma_wait3A_320 : memref<2x1x1x3x120xi32, #tpu.memory_space<hbm>> -> memref<2x3x120xi32, #tpu.memory_space<hbm>>
        %dma_wait3A_322 = arith.constant 0 : i32
        %dma_wait3A_323 = arith.constant 0 : i32
        %dma_wait3A_324 = arith.constant 0 : i32
        %dma_wait3A_325 = tpu.memref_slice %arg3[%dma_wait3A_322, %add3A, %dma_wait3A_316, %dma_wait3A_323, %dma_wait3A_324] : memref<2x32x28x3x120xi32, #tpu.memory_space<hbm>> -> memref<2x1x1x3x120xi32, #tpu.memory_space<hbm>>
        %dma_wait3A_326 = tpu.memref_squeeze %dma_wait3A_325 : memref<2x1x1x3x120xi32, #tpu.memory_space<hbm>> -> memref<2x3x120xi32, #tpu.memory_space<hbm>>
        tpu.wait_dma2 semaphore(%arg14 : memref<!tpu.dma_semaphore, #tpu.memory_space<semaphore_mem>>) src(%dma_wait3A_326 : memref<2x3x120xi32, #tpu.memory_space<hbm>>) dst(%arg9 : memref<2x3x120xi32, #tpu.memory_space<vmem>>)
        %dma_start3A_327 = arith.constant 0 : i32
        %dma_start3A_328 = arith.constant 0 : i32
        %dma_start3A_329 = arith.constant 0 : i32
        %dma_start3A_330 = tpu.memref_slice %arg9[%dma_start3A_327, %dma_start3A_328, %dma_start3A_329] : memref<2x3x120xi32, #tpu.memory_space<vmem>> -> memref<1x1x120xi32, #tpu.memory_space<vmem>>
        %dma_start3A_331 = tpu.memref_squeeze %dma_start3A_330 : memref<1x1x120xi32, #tpu.memory_space<vmem>> -> memref<120xi32, #tpu.memory_space<vmem>>
        %dma_start3A_332 = arith.constant 0 : i32
        %dma_start3A_333 = arith.constant 0 : i32
        %dma_start3A_334 = tpu.memref_slice %arg2[%dma_start3A_332, %dma_start3A_333] : memref<10000x128xf32, #tpu.memory_space<hbm>> -> memref<10000x128xf32, #tpu.memory_space<hbm>>
        tpu.enqueue_indirect_dma source(%dma_start3A_334 : memref<10000x128xf32, #tpu.memory_space<hbm>>) target(%arg6 : memref<120x128xf32, #tpu.memory_space<vmem>>) offsets(%dma_start3A_331 : memref<120xi32, #tpu.memory_space<vmem>>) semaphore(%arg11 : memref<!tpu.dma_semaphore, #tpu.memory_space<semaphore_mem>>)
      } else {
      }
      %run_scoped3A_294 = arith.constant 1 : i32
      %run_scoped3A_295 = arith.constant 2 : i32
      "tpu.region"() ({
        %run_scoped3A_316 = tpu.sem_alloc : memref<!tpu.dma_semaphore, #tpu.memory_space<semaphore_mem>>
        %dma_start3A_317 = arith.constant 0 : i32
        %dma_start3A_318 = tpu.memref_slice %arg10[%run_scoped3A_294, %run_scoped3A_295, %dma_start3A_317] : memref<2x3x120xi32, #tpu.memory_space<vmem>> -> memref<1x1x120xi32, #tpu.memory_space<vmem>>
        %dma_start3A_319 = tpu.memref_squeeze %dma_start3A_318 : memref<1x1x120xi32, #tpu.memory_space<vmem>> -> memref<120xi32, #tpu.memory_space<vmem>>
        %dma_start3A_320 = arith.constant 0 : i32
        %dma_start3A_321 = arith.constant 0 : i32
        %dma_start3A_322 = tpu.memref_slice %arg5[%dma_start3A_320, %dma_start3A_321] : memref<10112x128xf32, #tpu.memory_space<vmem_shared>> -> memref<10112x128xf32, #tpu.memory_space<vmem_shared>>
        tpu.enqueue_indirect_dma source(%arg7 : memref<120x128xf32, #tpu.memory_space<vmem>>) target(%dma_start3A_322 : memref<10112x128xf32, #tpu.memory_space<vmem_shared>>) offsets(%dma_start3A_319 : memref<120xi32, #tpu.memory_space<vmem>>) semaphore(%run_scoped3A_316 : memref<!tpu.dma_semaphore, #tpu.memory_space<semaphore_mem>>) {add = true}
        %dma_wait3A_323 = arith.constant 0 : i32
        %dma_wait3A_324 = tpu.memref_slice %arg10[%run_scoped3A_294, %run_scoped3A_295, %dma_wait3A_323] : memref<2x3x120xi32, #tpu.memory_space<vmem>> -> memref<1x1x120xi32, #tpu.memory_space<vmem>>
        %dma_wait3A_325 = tpu.memref_squeeze %dma_wait3A_324 : memref<1x1x120xi32, #tpu.memory_space<vmem>> -> memref<120xi32, #tpu.memory_space<vmem>>
        %dma_wait3A_326 = arith.constant 0 : i32
        %dma_wait3A_327 = arith.constant 0 : i32
        %dma_wait3A_328 = tpu.memref_slice %arg5[%dma_wait3A_326, %dma_wait3A_327] : memref<10112x128xf32, #tpu.memory_space<vmem_shared>> -> memref<10112x128xf32, #tpu.memory_space<vmem_shared>>
        tpu.wait_indirect_dma semaphore(%run_scoped3A_316 : memref<!tpu.dma_semaphore, #tpu.memory_space<semaphore_mem>>) src(%arg7 : memref<120x128xf32, #tpu.memory_space<vmem>>) dst(%dma_wait3A_328 : memref<10112x128xf32, #tpu.memory_space<vmem_shared>>)
        tpu.yield
      }) : () -> ()
      %dma_wait3A_296 = arith.constant 1 : i32
      %dma_wait3A_297 = arith.constant 2 : i32
      %dma_wait3A_298 = arith.constant 0 : i32
      %dma_wait3A_299 = tpu.memref_slice %arg10[%dma_wait3A_296, %dma_wait3A_297, %dma_wait3A_298] : memref<2x3x120xi32, #tpu.memory_space<vmem>> -> memref<1x1x120xi32, #tpu.memory_space<vmem>>
      %dma_wait3A_300 = tpu.memref_squeeze %dma_wait3A_299 : memref<1x1x120xi32, #tpu.memory_space<vmem>> -> memref<120xi32, #tpu.memory_space<vmem>>
      %dma_wait3A_301 = arith.constant 0 : i32
      %dma_wait3A_302 = arith.constant 0 : i32
      %dma_wait3A_303 = tpu.memref_slice %arg2[%dma_wait3A_301, %dma_wait3A_302] : memref<10000x128xf32, #tpu.memory_space<hbm>> -> memref<10000x128xf32, #tpu.memory_space<hbm>>
      tpu.wait_indirect_dma semaphore(%arg13 : memref<!tpu.dma_semaphore, #tpu.memory_space<semaphore_mem>>) src(%dma_wait3A_303 : memref<10000x128xf32, #tpu.memory_space<hbm>>) dst(%arg8 : memref<120x128xf32, #tpu.memory_space<vmem>>)
      %lt3A_304 = arith.constant 13 : i32
      %lt3A_305 = arith.cmpi slt, %scan3A_88, %lt3A_304 : i32
      %convert_element_type3A_306 = arith.extui %lt3A_305 : i1 to i32
      %cond3A_307 = arith.constant 0 : i32
      %cond3A_308 = arith.cmpi ne, %convert_element_type3A_306, %cond3A_307 : i32
      scf.if %cond3A_308 {
        %dma_start3A_316 = arith.constant 1 : i32
        %dma_start3A_317 = arith.constant 0 : i32
        %dma_start3A_318 = arith.constant 0 : i32
        %dma_start3A_319 = tpu.memref_slice %arg9[%dma_start3A_316, %dma_start3A_317, %dma_start3A_318] : memref<2x3x120xi32, #tpu.memory_space<vmem>> -> memref<1x1x120xi32, #tpu.memory_space<vmem>>
        %dma_start3A_320 = tpu.memref_squeeze %dma_start3A_319 : memref<1x1x120xi32, #tpu.memory_space<vmem>> -> memref<120xi32, #tpu.memory_space<vmem>>
        %dma_start3A_321 = arith.constant 0 : i32
        %dma_start3A_322 = arith.constant 0 : i32
        %dma_start3A_323 = tpu.memref_slice %arg2[%dma_start3A_321, %dma_start3A_322] : memref<10000x128xf32, #tpu.memory_space<hbm>> -> memref<10000x128xf32, #tpu.memory_space<hbm>>
        tpu.enqueue_indirect_dma source(%dma_start3A_323 : memref<10000x128xf32, #tpu.memory_space<hbm>>) target(%arg7 : memref<120x128xf32, #tpu.memory_space<vmem>>) offsets(%dma_start3A_320 : memref<120xi32, #tpu.memory_space<vmem>>) semaphore(%arg12 : memref<!tpu.dma_semaphore, #tpu.memory_space<semaphore_mem>>)
      } else {
      }
      %run_scoped3A_309 = arith.constant 0 : i32
      %run_scoped3A_310 = arith.constant 2 : i32
      "tpu.region"() ({
        %run_scoped3A_316 = tpu.sem_alloc : memref<!tpu.dma_semaphore, #tpu.memory_space<semaphore_mem>>
        %dma_start3A_317 = arith.constant 0 : i32
        %dma_start3A_318 = tpu.memref_slice %arg10[%run_scoped3A_309, %run_scoped3A_310, %dma_start3A_317] : memref<2x3x120xi32, #tpu.memory_space<vmem>> -> memref<1x1x120xi32, #tpu.memory_space<vmem>>
        %dma_start3A_319 = tpu.memref_squeeze %dma_start3A_318 : memref<1x1x120xi32, #tpu.memory_space<vmem>> -> memref<120xi32, #tpu.memory_space<vmem>>
        %dma_start3A_320 = arith.constant 0 : i32
        %dma_start3A_321 = arith.constant 0 : i32
        %dma_start3A_322 = tpu.memref_slice %arg5[%dma_start3A_320, %dma_start3A_321] : memref<10112x128xf32, #tpu.memory_space<vmem_shared>> -> memref<10112x128xf32, #tpu.memory_space<vmem_shared>>
        tpu.enqueue_indirect_dma source(%arg8 : memref<120x128xf32, #tpu.memory_space<vmem>>) target(%dma_start3A_322 : memref<10112x128xf32, #tpu.memory_space<vmem_shared>>) offsets(%dma_start3A_319 : memref<120xi32, #tpu.memory_space<vmem>>) semaphore(%run_scoped3A_316 : memref<!tpu.dma_semaphore, #tpu.memory_space<semaphore_mem>>) {add = true}
        %dma_wait3A_323 = arith.constant 0 : i32
        %dma_wait3A_324 = tpu.memref_slice %arg10[%run_scoped3A_309, %run_scoped3A_310, %dma_wait3A_323] : memref<2x3x120xi32, #tpu.memory_space<vmem>> -> memref<1x1x120xi32, #tpu.memory_space<vmem>>
        %dma_wait3A_325 = tpu.memref_squeeze %dma_wait3A_324 : memref<1x1x120xi32, #tpu.memory_space<vmem>> -> memref<120xi32, #tpu.memory_space<vmem>>
        %dma_wait3A_326 = arith.constant 0 : i32
        %dma_wait3A_327 = arith.constant 0 : i32
        %dma_wait3A_328 = tpu.memref_slice %arg5[%dma_wait3A_326, %dma_wait3A_327] : memref<10112x128xf32, #tpu.memory_space<vmem_shared>> -> memref<10112x128xf32, #tpu.memory_space<vmem_shared>>
        tpu.wait_indirect_dma semaphore(%run_scoped3A_316 : memref<!tpu.dma_semaphore, #tpu.memory_space<semaphore_mem>>) src(%arg8 : memref<120x128xf32, #tpu.memory_space<vmem>>) dst(%dma_wait3A_328 : memref<10112x128xf32, #tpu.memory_space<vmem_shared>>)
        tpu.yield
      }) : () -> ()
      %lt3A_311 = arith.constant 13 : i32
      %lt3A_312 = arith.cmpi slt, %scan3A_88, %lt3A_311 : i32
      %convert_element_type3A_313 = arith.extui %lt3A_312 : i1 to i32
      %cond3A_314 = arith.constant 0 : i32
      %cond3A_315 = arith.cmpi ne, %convert_element_type3A_313, %cond3A_314 : i32
      scf.if %cond3A_315 {
        %mul3A_316 = arith.constant 2 : i32
        %mul3A_317 = arith.muli %mul3A_316, %scan3A_88 : i32
        %add3A_318 = arith.constant 3 : i32
        %add3A_319 = arith.addi %mul3A_317, %add3A_318 : i32
        %dma_start3A_320 = arith.constant 0 : i32
        %dma_start3A_321 = arith.constant 0 : i32
        %dma_start3A_322 = arith.constant 0 : i32
        %dma_start3A_323 = tpu.memref_slice %arg3[%dma_start3A_320, %add3A, %add3A_319, %dma_start3A_321, %dma_start3A_322] : memref<2x32x28x3x120xi32, #tpu.memory_space<hbm>> -> memref<2x1x1x3x120xi32, #tpu.memory_space<hbm>>
        %dma_start3A_324 = tpu.memref_squeeze %dma_start3A_323 : memref<2x1x1x3x120xi32, #tpu.memory_space<hbm>> -> memref<2x3x120xi32, #tpu.memory_space<hbm>>
        %dma_start3A_325 = arith.constant 0 : i32
        %dma_start3A_326 = arith.constant 0 : i32
        %dma_start3A_327 = arith.constant 0 : i32
        %dma_start3A_328 = tpu.memref_slice %arg3[%dma_start3A_325, %add3A, %add3A_319, %dma_start3A_326, %dma_start3A_327] : memref<2x32x28x3x120xi32, #tpu.memory_space<hbm>> -> memref<2x1x1x3x120xi32, #tpu.memory_space<hbm>>
        %dma_start3A_329 = tpu.memref_squeeze %dma_start3A_328 : memref<2x1x1x3x120xi32, #tpu.memory_space<hbm>> -> memref<2x3x120xi32, #tpu.memory_space<hbm>>
        tpu.enqueue_dma source(%dma_start3A_329 : memref<2x3x120xi32, #tpu.memory_space<hbm>>) target(%arg10 : memref<2x3x120xi32, #tpu.memory_space<vmem>>) target_semaphore(%arg15 : memref<!tpu.dma_semaphore, #tpu.memory_space<semaphore_mem>>)
      } else {
      }
    }
    %scan3A_62 = arith.constant 14 : i32
    %barrier3A_63 = arith.constant 0 : index
    tpu.barrier barrier_id(%barrier3A_63)
    %mul3A_64 = arith.constant 632 : i32
    %mul3A_65 = arith.muli %arg1, %mul3A_64 : i32
    %add3A_66 = arith.constant 0 : i32
    %add3A_67 = arith.addi %mul3A_65, %add3A_66 : i32
    "tpu.region"() ({
      %run_scoped3A_88 = tpu.sem_alloc : memref<!tpu.dma_semaphore, #tpu.memory_space<semaphore_mem>>
      %dma_start3A_89 = arith.constant 0 : i32
      %dma_start3A_90 = tpu.memref_slice %arg5[%add3A_67, %dma_start3A_89] : memref<10112x128xf32, #tpu.memory_space<vmem_shared>> -> memref<120x128xf32, #tpu.memory_space<vmem_shared>>
      %dma_start3A_91 = arith.constant 0 : i32
      %dma_start3A_92 = tpu.memref_slice %arg5[%add3A_67, %dma_start3A_91] : memref<10112x128xf32, #tpu.memory_space<vmem_shared>> -> memref<120x128xf32, #tpu.memory_space<vmem_shared>>
      tpu.enqueue_dma source(%dma_start3A_92 : memref<120x128xf32, #tpu.memory_space<vmem_shared>>) target(%arg6 : memref<120x128xf32, #tpu.memory_space<vmem>>) target_semaphore(%run_scoped3A_88 : memref<!tpu.dma_semaphore, #tpu.memory_space<semaphore_mem>>)
      %dma_wait3A = arith.constant 0 : i32
      %dma_wait3A_93 = tpu.memref_slice %arg5[%add3A_67, %dma_wait3A] : memref<10112x128xf32, #tpu.memory_space<vmem_shared>> -> memref<120x128xf32, #tpu.memory_space<vmem_shared>>
      %dma_wait3A_94 = arith.constant 0 : i32
      %dma_wait3A_95 = tpu.memref_slice %arg5[%add3A_67, %dma_wait3A_94] : memref<10112x128xf32, #tpu.memory_space<vmem_shared>> -> memref<120x128xf32, #tpu.memory_space<vmem_shared>>
      tpu.wait_dma2 semaphore(%run_scoped3A_88 : memref<!tpu.dma_semaphore, #tpu.memory_space<semaphore_mem>>) src(%dma_wait3A_95 : memref<120x128xf32, #tpu.memory_space<vmem_shared>>) dst(%arg6 : memref<120x128xf32, #tpu.memory_space<vmem>>)
      tpu.yield
    }) : () -> ()
    "tpu.region"() ({
      %run_scoped3A_88 = tpu.sem_alloc : memref<!tpu.dma_semaphore, #tpu.memory_space<semaphore_mem>>
      %dma_start3A_89 = arith.constant 0 : i32
      %dma_start3A_90 = tpu.memref_slice %arg4[%arg0, %add3A_67, %dma_start3A_89] : memref<2x10112x128xf32, #tpu.memory_space<hbm>> -> memref<1x120x128xf32, #tpu.memory_space<hbm>>
      %dma_start3A_91 = tpu.memref_squeeze %dma_start3A_90 : memref<1x120x128xf32, #tpu.memory_space<hbm>> -> memref<120x128xf32, #tpu.memory_space<hbm>>
      %dma_start3A_92 = arith.constant 0 : i32
      %dma_start3A_93 = tpu.memref_slice %arg4[%arg0, %add3A_67, %dma_start3A_92] : memref<2x10112x128xf32, #tpu.memory_space<hbm>> -> memref<1x120x128xf32, #tpu.memory_space<hbm>>
      %dma_start3A_94 = tpu.memref_squeeze %dma_start3A_93 : memref<1x120x128xf32, #tpu.memory_space<hbm>> -> memref<120x128xf32, #tpu.memory_space<hbm>>
      tpu.enqueue_dma source(%arg6 : memref<120x128xf32, #tpu.memory_space<vmem>>) target(%dma_start3A_94 : memref<120x128xf32, #tpu.memory_space<hbm>>) target_semaphore(%run_scoped3A_88 : memref<!tpu.dma_semaphore, #tpu.memory_space<semaphore_mem>>)
      %dma_wait3A = arith.constant 0 : i32
      %dma_wait3A_95 = tpu.memref_slice %arg4[%arg0, %add3A_67, %dma_wait3A] : memref<2x10112x128xf32, #tpu.memory_space<hbm>> -> memref<1x120x128xf32, #tpu.memory_space<hbm>>
      %dma_wait3A_96 = tpu.memref_squeeze %dma_wait3A_95 : memref<1x120x128xf32, #tpu.memory_space<hbm>> -> memref<120x128xf32, #tpu.memory_space<hbm>>
      %dma_wait3A_97 = arith.constant 0 : i32
      %dma_wait3A_98 = tpu.memref_slice %arg4[%arg0, %add3A_67, %dma_wait3A_97] : memref<2x10112x128xf32, #tpu.memory_space<hbm>> -> memref<1x120x128xf32, #tpu.memory_space<hbm>>
      %dma_wait3A_99 = tpu.memref_squeeze %dma_wait3A_98 : memref<1x120x128xf32, #tpu.memory_space<hbm>> -> memref<120x128xf32, #tpu.memory_space<hbm>>
      tpu.wait_dma2 semaphore(%run_scoped3A_88 : memref<!tpu.dma_semaphore, #tpu.memory_space<semaphore_mem>>) src(%arg6 : memref<120x128xf32, #tpu.memory_space<vmem>>) dst(%dma_wait3A_99 : memref<120x128xf32, #tpu.memory_space<hbm>>)
      tpu.yield
    }) : () -> ()
    %mul3A_68 = arith.constant 632 : i32
    %mul3A_69 = arith.muli %arg1, %mul3A_68 : i32
    %add3A_70 = arith.constant 120 : i32
    %add3A_71 = arith.addi %mul3A_69, %add3A_70 : i32
    "tpu.region"() ({
      %run_scoped3A_88 = tpu.sem_alloc : memref<!tpu.dma_semaphore, #tpu.memory_space<semaphore_mem>>
      %dma_start3A_89 = arith.constant 0 : i32
      %dma_start3A_90 = tpu.memref_slice %arg5[%add3A_71, %dma_start3A_89] : memref<10112x128xf32, #tpu.memory_space<vmem_shared>> -> memref<120x128xf32, #tpu.memory_space<vmem_shared>>
      %dma_start3A_91 = arith.constant 0 : i32
      %dma_start3A_92 = tpu.memref_slice %arg5[%add3A_71, %dma_start3A_91] : memref<10112x128xf32, #tpu.memory_space<vmem_shared>> -> memref<120x128xf32, #tpu.memory_space<vmem_shared>>
      tpu.enqueue_dma source(%dma_start3A_92 : memref<120x128xf32, #tpu.memory_space<vmem_shared>>) target(%arg6 : memref<120x128xf32, #tpu.memory_space<vmem>>) target_semaphore(%run_scoped3A_88 : memref<!tpu.dma_semaphore, #tpu.memory_space<semaphore_mem>>)
      %dma_wait3A = arith.constant 0 : i32
      %dma_wait3A_93 = tpu.memref_slice %arg5[%add3A_71, %dma_wait3A] : memref<10112x128xf32, #tpu.memory_space<vmem_shared>> -> memref<120x128xf32, #tpu.memory_space<vmem_shared>>
      %dma_wait3A_94 = arith.constant 0 : i32
      %dma_wait3A_95 = tpu.memref_slice %arg5[%add3A_71, %dma_wait3A_94] : memref<10112x128xf32, #tpu.memory_space<vmem_shared>> -> memref<120x128xf32, #tpu.memory_space<vmem_shared>>
      tpu.wait_dma2 semaphore(%run_scoped3A_88 : memref<!tpu.dma_semaphore, #tpu.memory_space<semaphore_mem>>) src(%dma_wait3A_95 : memref<120x128xf32, #tpu.memory_space<vmem_shared>>) dst(%arg6 : memref<120x128xf32, #tpu.memory_space<vmem>>)
      tpu.yield
    }) : () -> ()
    "tpu.region"() ({
      %run_scoped3A_88 = tpu.sem_alloc : memref<!tpu.dma_semaphore, #tpu.memory_space<semaphore_mem>>
      %dma_start3A_89 = arith.constant 0 : i32
      %dma_start3A_90 = tpu.memref_slice %arg4[%arg0, %add3A_71, %dma_start3A_89] : memref<2x10112x128xf32, #tpu.memory_space<hbm>> -> memref<1x120x128xf32, #tpu.memory_space<hbm>>
      %dma_start3A_91 = tpu.memref_squeeze %dma_start3A_90 : memref<1x120x128xf32, #tpu.memory_space<hbm>> -> memref<120x128xf32, #tpu.memory_space<hbm>>
      %dma_start3A_92 = arith.constant 0 : i32
      %dma_start3A_93 = tpu.memref_slice %arg4[%arg0, %add3A_71, %dma_start3A_92] : memref<2x10112x128xf32, #tpu.memory_space<hbm>> -> memref<1x120x128xf32, #tpu.memory_space<hbm>>
      %dma_start3A_94 = tpu.memref_squeeze %dma_start3A_93 : memref<1x120x128xf32, #tpu.memory_space<hbm>> -> memref<120x128xf32, #tpu.memory_space<hbm>>
      tpu.enqueue_dma source(%arg6 : memref<120x128xf32, #tpu.memory_space<vmem>>) target(%dma_start3A_94 : memref<120x128xf32, #tpu.memory_space<hbm>>) target_semaphore(%run_scoped3A_88 : memref<!tpu.dma_semaphore, #tpu.memory_space<semaphore_mem>>)
      %dma_wait3A = arith.constant 0 : i32
      %dma_wait3A_95 = tpu.memref_slice %arg4[%arg0, %add3A_71, %dma_wait3A] : memref<2x10112x128xf32, #tpu.memory_space<hbm>> -> memref<1x120x128xf32, #tpu.memory_space<hbm>>
      %dma_wait3A_96 = tpu.memref_squeeze %dma_wait3A_95 : memref<1x120x128xf32, #tpu.memory_space<hbm>> -> memref<120x128xf32, #tpu.memory_space<hbm>>
      %dma_wait3A_97 = arith.constant 0 : i32
      %dma_wait3A_98 = tpu.memref_slice %arg4[%arg0, %add3A_71, %dma_wait3A_97] : memref<2x10112x128xf32, #tpu.memory_space<hbm>> -> memref<1x120x128xf32, #tpu.memory_space<hbm>>
      %dma_wait3A_99 = tpu.memref_squeeze %dma_wait3A_98 : memref<1x120x128xf32, #tpu.memory_space<hbm>> -> memref<120x128xf32, #tpu.memory_space<hbm>>
      tpu.wait_dma2 semaphore(%run_scoped3A_88 : memref<!tpu.dma_semaphore, #tpu.memory_space<semaphore_mem>>) src(%arg6 : memref<120x128xf32, #tpu.memory_space<vmem>>) dst(%dma_wait3A_99 : memref<120x128xf32, #tpu.memory_space<hbm>>)
      tpu.yield
    }) : () -> ()
    %mul3A_72 = arith.constant 632 : i32
    %mul3A_73 = arith.muli %arg1, %mul3A_72 : i32
    %add3A_74 = arith.constant 240 : i32
    %add3A_75 = arith.addi %mul3A_73, %add3A_74 : i32
    "tpu.region"() ({
      %run_scoped3A_88 = tpu.sem_alloc : memref<!tpu.dma_semaphore, #tpu.memory_space<semaphore_mem>>
      %dma_start3A_89 = arith.constant 0 : i32
      %dma_start3A_90 = tpu.memref_slice %arg5[%add3A_75, %dma_start3A_89] : memref<10112x128xf32, #tpu.memory_space<vmem_shared>> -> memref<120x128xf32, #tpu.memory_space<vmem_shared>>
      %dma_start3A_91 = arith.constant 0 : i32
      %dma_start3A_92 = tpu.memref_slice %arg5[%add3A_75, %dma_start3A_91] : memref<10112x128xf32, #tpu.memory_space<vmem_shared>> -> memref<120x128xf32, #tpu.memory_space<vmem_shared>>
      tpu.enqueue_dma source(%dma_start3A_92 : memref<120x128xf32, #tpu.memory_space<vmem_shared>>) target(%arg6 : memref<120x128xf32, #tpu.memory_space<vmem>>) target_semaphore(%run_scoped3A_88 : memref<!tpu.dma_semaphore, #tpu.memory_space<semaphore_mem>>)
      %dma_wait3A = arith.constant 0 : i32
      %dma_wait3A_93 = tpu.memref_slice %arg5[%add3A_75, %dma_wait3A] : memref<10112x128xf32, #tpu.memory_space<vmem_shared>> -> memref<120x128xf32, #tpu.memory_space<vmem_shared>>
      %dma_wait3A_94 = arith.constant 0 : i32
      %dma_wait3A_95 = tpu.memref_slice %arg5[%add3A_75, %dma_wait3A_94] : memref<10112x128xf32, #tpu.memory_space<vmem_shared>> -> memref<120x128xf32, #tpu.memory_space<vmem_shared>>
      tpu.wait_dma2 semaphore(%run_scoped3A_88 : memref<!tpu.dma_semaphore, #tpu.memory_space<semaphore_mem>>) src(%dma_wait3A_95 : memref<120x128xf32, #tpu.memory_space<vmem_shared>>) dst(%arg6 : memref<120x128xf32, #tpu.memory_space<vmem>>)
      tpu.yield
    }) : () -> ()
    "tpu.region"() ({
      %run_scoped3A_88 = tpu.sem_alloc : memref<!tpu.dma_semaphore, #tpu.memory_space<semaphore_mem>>
      %dma_start3A_89 = arith.constant 0 : i32
      %dma_start3A_90 = tpu.memref_slice %arg4[%arg0, %add3A_75, %dma_start3A_89] : memref<2x10112x128xf32, #tpu.memory_space<hbm>> -> memref<1x120x128xf32, #tpu.memory_space<hbm>>
      %dma_start3A_91 = tpu.memref_squeeze %dma_start3A_90 : memref<1x120x128xf32, #tpu.memory_space<hbm>> -> memref<120x128xf32, #tpu.memory_space<hbm>>
      %dma_start3A_92 = arith.constant 0 : i32
      %dma_start3A_93 = tpu.memref_slice %arg4[%arg0, %add3A_75, %dma_start3A_92] : memref<2x10112x128xf32, #tpu.memory_space<hbm>> -> memref<1x120x128xf32, #tpu.memory_space<hbm>>
      %dma_start3A_94 = tpu.memref_squeeze %dma_start3A_93 : memref<1x120x128xf32, #tpu.memory_space<hbm>> -> memref<120x128xf32, #tpu.memory_space<hbm>>
      tpu.enqueue_dma source(%arg6 : memref<120x128xf32, #tpu.memory_space<vmem>>) target(%dma_start3A_94 : memref<120x128xf32, #tpu.memory_space<hbm>>) target_semaphore(%run_scoped3A_88 : memref<!tpu.dma_semaphore, #tpu.memory_space<semaphore_mem>>)
      %dma_wait3A = arith.constant 0 : i32
      %dma_wait3A_95 = tpu.memref_slice %arg4[%arg0, %add3A_75, %dma_wait3A] : memref<2x10112x128xf32, #tpu.memory_space<hbm>> -> memref<1x120x128xf32, #tpu.memory_space<hbm>>
      %dma_wait3A_96 = tpu.memref_squeeze %dma_wait3A_95 : memref<1x120x128xf32, #tpu.memory_space<hbm>> -> memref<120x128xf32, #tpu.memory_space<hbm>>
      %dma_wait3A_97 = arith.constant 0 : i32
      %dma_wait3A_98 = tpu.memref_slice %arg4[%arg0, %add3A_75, %dma_wait3A_97] : memref<2x10112x128xf32, #tpu.memory_space<hbm>> -> memref<1x120x128xf32, #tpu.memory_space<hbm>>
      %dma_wait3A_99 = tpu.memref_squeeze %dma_wait3A_98 : memref<1x120x128xf32, #tpu.memory_space<hbm>> -> memref<120x128xf32, #tpu.memory_space<hbm>>
      tpu.wait_dma2 semaphore(%run_scoped3A_88 : memref<!tpu.dma_semaphore, #tpu.memory_space<semaphore_mem>>) src(%arg6 : memref<120x128xf32, #tpu.memory_space<vmem>>) dst(%dma_wait3A_99 : memref<120x128xf32, #tpu.memory_space<hbm>>)
      tpu.yield
    }) : () -> ()
    %mul3A_76 = arith.constant 632 : i32
    %mul3A_77 = arith.muli %arg1, %mul3A_76 : i32
    %add3A_78 = arith.constant 360 : i32
    %add3A_79 = arith.addi %mul3A_77, %add3A_78 : i32
    "tpu.region"() ({
      %run_scoped3A_88 = tpu.sem_alloc : memref<!tpu.dma_semaphore, #tpu.memory_space<semaphore_mem>>
      %dma_start3A_89 = arith.constant 0 : i32
      %dma_start3A_90 = tpu.memref_slice %arg5[%add3A_79, %dma_start3A_89] : memref<10112x128xf32, #tpu.memory_space<vmem_shared>> -> memref<120x128xf32, #tpu.memory_space<vmem_shared>>
      %dma_start3A_91 = arith.constant 0 : i32
      %dma_start3A_92 = tpu.memref_slice %arg5[%add3A_79, %dma_start3A_91] : memref<10112x128xf32, #tpu.memory_space<vmem_shared>> -> memref<120x128xf32, #tpu.memory_space<vmem_shared>>
      tpu.enqueue_dma source(%dma_start3A_92 : memref<120x128xf32, #tpu.memory_space<vmem_shared>>) target(%arg6 : memref<120x128xf32, #tpu.memory_space<vmem>>) target_semaphore(%run_scoped3A_88 : memref<!tpu.dma_semaphore, #tpu.memory_space<semaphore_mem>>)
      %dma_wait3A = arith.constant 0 : i32
      %dma_wait3A_93 = tpu.memref_slice %arg5[%add3A_79, %dma_wait3A] : memref<10112x128xf32, #tpu.memory_space<vmem_shared>> -> memref<120x128xf32, #tpu.memory_space<vmem_shared>>
      %dma_wait3A_94 = arith.constant 0 : i32
      %dma_wait3A_95 = tpu.memref_slice %arg5[%add3A_79, %dma_wait3A_94] : memref<10112x128xf32, #tpu.memory_space<vmem_shared>> -> memref<120x128xf32, #tpu.memory_space<vmem_shared>>
      tpu.wait_dma2 semaphore(%run_scoped3A_88 : memref<!tpu.dma_semaphore, #tpu.memory_space<semaphore_mem>>) src(%dma_wait3A_95 : memref<120x128xf32, #tpu.memory_space<vmem_shared>>) dst(%arg6 : memref<120x128xf32, #tpu.memory_space<vmem>>)
      tpu.yield
    }) : () -> ()
    "tpu.region"() ({
      %run_scoped3A_88 = tpu.sem_alloc : memref<!tpu.dma_semaphore, #tpu.memory_space<semaphore_mem>>
      %dma_start3A_89 = arith.constant 0 : i32
      %dma_start3A_90 = tpu.memref_slice %arg4[%arg0, %add3A_79, %dma_start3A_89] : memref<2x10112x128xf32, #tpu.memory_space<hbm>> -> memref<1x120x128xf32, #tpu.memory_space<hbm>>
      %dma_start3A_91 = tpu.memref_squeeze %dma_start3A_90 : memref<1x120x128xf32, #tpu.memory_space<hbm>> -> memref<120x128xf32, #tpu.memory_space<hbm>>
      %dma_start3A_92 = arith.constant 0 : i32
      %dma_start3A_93 = tpu.memref_slice %arg4[%arg0, %add3A_79, %dma_start3A_92] : memref<2x10112x128xf32, #tpu.memory_space<hbm>> -> memref<1x120x128xf32, #tpu.memory_space<hbm>>
      %dma_start3A_94 = tpu.memref_squeeze %dma_start3A_93 : memref<1x120x128xf32, #tpu.memory_space<hbm>> -> memref<120x128xf32, #tpu.memory_space<hbm>>
      tpu.enqueue_dma source(%arg6 : memref<120x128xf32, #tpu.memory_space<vmem>>) target(%dma_start3A_94 : memref<120x128xf32, #tpu.memory_space<hbm>>) target_semaphore(%run_scoped3A_88 : memref<!tpu.dma_semaphore, #tpu.memory_space<semaphore_mem>>)
      %dma_wait3A = arith.constant 0 : i32
      %dma_wait3A_95 = tpu.memref_slice %arg4[%arg0, %add3A_79, %dma_wait3A] : memref<2x10112x128xf32, #tpu.memory_space<hbm>> -> memref<1x120x128xf32, #tpu.memory_space<hbm>>
      %dma_wait3A_96 = tpu.memref_squeeze %dma_wait3A_95 : memref<1x120x128xf32, #tpu.memory_space<hbm>> -> memref<120x128xf32, #tpu.memory_space<hbm>>
      %dma_wait3A_97 = arith.constant 0 : i32
      %dma_wait3A_98 = tpu.memref_slice %arg4[%arg0, %add3A_79, %dma_wait3A_97] : memref<2x10112x128xf32, #tpu.memory_space<hbm>> -> memref<1x120x128xf32, #tpu.memory_space<hbm>>
      %dma_wait3A_99 = tpu.memref_squeeze %dma_wait3A_98 : memref<1x120x128xf32, #tpu.memory_space<hbm>> -> memref<120x128xf32, #tpu.memory_space<hbm>>
      tpu.wait_dma2 semaphore(%run_scoped3A_88 : memref<!tpu.dma_semaphore, #tpu.memory_space<semaphore_mem>>) src(%arg6 : memref<120x128xf32, #tpu.memory_space<vmem>>) dst(%dma_wait3A_99 : memref<120x128xf32, #tpu.memory_space<hbm>>)
      tpu.yield
    }) : () -> ()
    %mul3A_80 = arith.constant 632 : i32
    %mul3A_81 = arith.muli %arg1, %mul3A_80 : i32
    %add3A_82 = arith.constant 480 : i32
    %add3A_83 = arith.addi %mul3A_81, %add3A_82 : i32
    "tpu.region"() ({
      %run_scoped3A_88 = tpu.sem_alloc : memref<!tpu.dma_semaphore, #tpu.memory_space<semaphore_mem>>
      %dma_start3A_89 = arith.constant 0 : i32
      %dma_start3A_90 = tpu.memref_slice %arg5[%add3A_83, %dma_start3A_89] : memref<10112x128xf32, #tpu.memory_space<vmem_shared>> -> memref<120x128xf32, #tpu.memory_space<vmem_shared>>
      %dma_start3A_91 = arith.constant 0 : i32
      %dma_start3A_92 = tpu.memref_slice %arg5[%add3A_83, %dma_start3A_91] : memref<10112x128xf32, #tpu.memory_space<vmem_shared>> -> memref<120x128xf32, #tpu.memory_space<vmem_shared>>
      tpu.enqueue_dma source(%dma_start3A_92 : memref<120x128xf32, #tpu.memory_space<vmem_shared>>) target(%arg6 : memref<120x128xf32, #tpu.memory_space<vmem>>) target_semaphore(%run_scoped3A_88 : memref<!tpu.dma_semaphore, #tpu.memory_space<semaphore_mem>>)
      %dma_wait3A = arith.constant 0 : i32
      %dma_wait3A_93 = tpu.memref_slice %arg5[%add3A_83, %dma_wait3A] : memref<10112x128xf32, #tpu.memory_space<vmem_shared>> -> memref<120x128xf32, #tpu.memory_space<vmem_shared>>
      %dma_wait3A_94 = arith.constant 0 : i32
      %dma_wait3A_95 = tpu.memref_slice %arg5[%add3A_83, %dma_wait3A_94] : memref<10112x128xf32, #tpu.memory_space<vmem_shared>> -> memref<120x128xf32, #tpu.memory_space<vmem_shared>>
      tpu.wait_dma2 semaphore(%run_scoped3A_88 : memref<!tpu.dma_semaphore, #tpu.memory_space<semaphore_mem>>) src(%dma_wait3A_95 : memref<120x128xf32, #tpu.memory_space<vmem_shared>>) dst(%arg6 : memref<120x128xf32, #tpu.memory_space<vmem>>)
      tpu.yield
    }) : () -> ()
    "tpu.region"() ({
      %run_scoped3A_88 = tpu.sem_alloc : memref<!tpu.dma_semaphore, #tpu.memory_space<semaphore_mem>>
      %dma_start3A_89 = arith.constant 0 : i32
      %dma_start3A_90 = tpu.memref_slice %arg4[%arg0, %add3A_83, %dma_start3A_89] : memref<2x10112x128xf32, #tpu.memory_space<hbm>> -> memref<1x120x128xf32, #tpu.memory_space<hbm>>
      %dma_start3A_91 = tpu.memref_squeeze %dma_start3A_90 : memref<1x120x128xf32, #tpu.memory_space<hbm>> -> memref<120x128xf32, #tpu.memory_space<hbm>>
      %dma_start3A_92 = arith.constant 0 : i32
      %dma_start3A_93 = tpu.memref_slice %arg4[%arg0, %add3A_83, %dma_start3A_92] : memref<2x10112x128xf32, #tpu.memory_space<hbm>> -> memref<1x120x128xf32, #tpu.memory_space<hbm>>
      %dma_start3A_94 = tpu.memref_squeeze %dma_start3A_93 : memref<1x120x128xf32, #tpu.memory_space<hbm>> -> memref<120x128xf32, #tpu.memory_space<hbm>>
      tpu.enqueue_dma source(%arg6 : memref<120x128xf32, #tpu.memory_space<vmem>>) target(%dma_start3A_94 : memref<120x128xf32, #tpu.memory_space<hbm>>) target_semaphore(%run_scoped3A_88 : memref<!tpu.dma_semaphore, #tpu.memory_space<semaphore_mem>>)
      %dma_wait3A = arith.constant 0 : i32
      %dma_wait3A_95 = tpu.memref_slice %arg4[%arg0, %add3A_83, %dma_wait3A] : memref<2x10112x128xf32, #tpu.memory_space<hbm>> -> memref<1x120x128xf32, #tpu.memory_space<hbm>>
      %dma_wait3A_96 = tpu.memref_squeeze %dma_wait3A_95 : memref<1x120x128xf32, #tpu.memory_space<hbm>> -> memref<120x128xf32, #tpu.memory_space<hbm>>
      %dma_wait3A_97 = arith.constant 0 : i32
      %dma_wait3A_98 = tpu.memref_slice %arg4[%arg0, %add3A_83, %dma_wait3A_97] : memref<2x10112x128xf32, #tpu.memory_space<hbm>> -> memref<1x120x128xf32, #tpu.memory_space<hbm>>
      %dma_wait3A_99 = tpu.memref_squeeze %dma_wait3A_98 : memref<1x120x128xf32, #tpu.memory_space<hbm>> -> memref<120x128xf32, #tpu.memory_space<hbm>>
      tpu.wait_dma2 semaphore(%run_scoped3A_88 : memref<!tpu.dma_semaphore, #tpu.memory_space<semaphore_mem>>) src(%arg6 : memref<120x128xf32, #tpu.memory_space<vmem>>) dst(%dma_wait3A_99 : memref<120x128xf32, #tpu.memory_space<hbm>>)
      tpu.yield
    }) : () -> ()
    %mul3A_84 = arith.constant 632 : i32
    %mul3A_85 = arith.muli %arg1, %mul3A_84 : i32
    %add3A_86 = arith.constant 600 : i32
    %add3A_87 = arith.addi %mul3A_85, %add3A_86 : i32
    "tpu.region"() ({
      %run_scoped3A_88 = tpu.sem_alloc : memref<!tpu.dma_semaphore, #tpu.memory_space<semaphore_mem>>
      %dma_start3A_89 = arith.constant 0 : i32
      %dma_start3A_90 = arith.constant 0 : i32
      %dma_start3A_91 = tpu.memref_slice %arg6[%dma_start3A_89, %dma_start3A_90] : memref<120x128xf32, #tpu.memory_space<vmem>> -> memref<32x128xf32, #tpu.memory_space<vmem>>
      %dma_start3A_92 = arith.constant 0 : i32
      %dma_start3A_93 = tpu.memref_slice %arg5[%add3A_87, %dma_start3A_92] : memref<10112x128xf32, #tpu.memory_space<vmem_shared>> -> memref<32x128xf32, #tpu.memory_space<vmem_shared>>
      %dma_start3A_94 = arith.constant 0 : i32
      %dma_start3A_95 = arith.constant 0 : i32
      %dma_start3A_96 = tpu.memref_slice %arg6[%dma_start3A_94, %dma_start3A_95] : memref<120x128xf32, #tpu.memory_space<vmem>> -> memref<32x128xf32, #tpu.memory_space<vmem>>
      %dma_start3A_97 = arith.constant 0 : i32
      %dma_start3A_98 = tpu.memref_slice %arg5[%add3A_87, %dma_start3A_97] : memref<10112x128xf32, #tpu.memory_space<vmem_shared>> -> memref<32x128xf32, #tpu.memory_space<vmem_shared>>
      tpu.enqueue_dma source(%dma_start3A_98 : memref<32x128xf32, #tpu.memory_space<vmem_shared>>) target(%dma_start3A_96 : memref<32x128xf32, #tpu.memory_space<vmem>>) target_semaphore(%run_scoped3A_88 : memref<!tpu.dma_semaphore, #tpu.memory_space<semaphore_mem>>)
      %dma_wait3A = arith.constant 0 : i32
      %dma_wait3A_99 = arith.constant 0 : i32
      %dma_wait3A_100 = tpu.memref_slice %arg6[%dma_wait3A, %dma_wait3A_99] : memref<120x128xf32, #tpu.memory_space<vmem>> -> memref<32x128xf32, #tpu.memory_space<vmem>>
      %dma_wait3A_101 = arith.constant 0 : i32
      %dma_wait3A_102 = tpu.memref_slice %arg5[%add3A_87, %dma_wait3A_101] : memref<10112x128xf32, #tpu.memory_space<vmem_shared>> -> memref<32x128xf32, #tpu.memory_space<vmem_shared>>
      %dma_wait3A_103 = arith.constant 0 : i32
      %dma_wait3A_104 = arith.constant 0 : i32
      %dma_wait3A_105 = tpu.memref_slice %arg6[%dma_wait3A_103, %dma_wait3A_104] : memref<120x128xf32, #tpu.memory_space<vmem>> -> memref<32x128xf32, #tpu.memory_space<vmem>>
      %dma_wait3A_106 = arith.constant 0 : i32
      %dma_wait3A_107 = tpu.memref_slice %arg5[%add3A_87, %dma_wait3A_106] : memref<10112x128xf32, #tpu.memory_space<vmem_shared>> -> memref<32x128xf32, #tpu.memory_space<vmem_shared>>
      tpu.wait_dma2 semaphore(%run_scoped3A_88 : memref<!tpu.dma_semaphore, #tpu.memory_space<semaphore_mem>>) src(%dma_wait3A_107 : memref<32x128xf32, #tpu.memory_space<vmem_shared>>) dst(%dma_wait3A_105 : memref<32x128xf32, #tpu.memory_space<vmem>>)
      tpu.yield
    }) : () -> ()
    "tpu.region"() ({
      %run_scoped3A_88 = tpu.sem_alloc : memref<!tpu.dma_semaphore, #tpu.memory_space<semaphore_mem>>
      %dma_start3A_89 = arith.constant 0 : i32
      %dma_start3A_90 = arith.constant 0 : i32
      %dma_start3A_91 = tpu.memref_slice %arg6[%dma_start3A_89, %dma_start3A_90] : memref<120x128xf32, #tpu.memory_space<vmem>> -> memref<32x128xf32, #tpu.memory_space<vmem>>
      %dma_start3A_92 = arith.constant 0 : i32
      %dma_start3A_93 = tpu.memref_slice %arg4[%arg0, %add3A_87, %dma_start3A_92] : memref<2x10112x128xf32, #tpu.memory_space<hbm>> -> memref<1x32x128xf32, #tpu.memory_space<hbm>>
      %dma_start3A_94 = tpu.memref_squeeze %dma_start3A_93 : memref<1x32x128xf32, #tpu.memory_space<hbm>> -> memref<32x128xf32, #tpu.memory_space<hbm>>
      %dma_start3A_95 = arith.constant 0 : i32
      %dma_start3A_96 = tpu.memref_slice %arg4[%arg0, %add3A_87, %dma_start3A_95] : memref<2x10112x128xf32, #tpu.memory_space<hbm>> -> memref<1x32x128xf32, #tpu.memory_space<hbm>>
      %dma_start3A_97 = tpu.memref_squeeze %dma_start3A_96 : memref<1x32x128xf32, #tpu.memory_space<hbm>> -> memref<32x128xf32, #tpu.memory_space<hbm>>
      %dma_start3A_98 = arith.constant 0 : i32
      %dma_start3A_99 = arith.constant 0 : i32
      %dma_start3A_100 = tpu.memref_slice %arg6[%dma_start3A_98, %dma_start3A_99] : memref<120x128xf32, #tpu.memory_space<vmem>> -> memref<32x128xf32, #tpu.memory_space<vmem>>
      tpu.enqueue_dma source(%dma_start3A_100 : memref<32x128xf32, #tpu.memory_space<vmem>>) target(%dma_start3A_97 : memref<32x128xf32, #tpu.memory_space<hbm>>) target_semaphore(%run_scoped3A_88 : memref<!tpu.dma_semaphore, #tpu.memory_space<semaphore_mem>>)
      %dma_wait3A = arith.constant 0 : i32
      %dma_wait3A_101 = arith.constant 0 : i32
      %dma_wait3A_102 = tpu.memref_slice %arg6[%dma_wait3A, %dma_wait3A_101] : memref<120x128xf32, #tpu.memory_space<vmem>> -> memref<32x128xf32, #tpu.memory_space<vmem>>
      %dma_wait3A_103 = arith.constant 0 : i32
      %dma_wait3A_104 = tpu.memref_slice %arg4[%arg0, %add3A_87, %dma_wait3A_103] : memref<2x10112x128xf32, #tpu.memory_space<hbm>> -> memref<1x32x128xf32, #tpu.memory_space<hbm>>
      %dma_wait3A_105 = tpu.memref_squeeze %dma_wait3A_104 : memref<1x32x128xf32, #tpu.memory_space<hbm>> -> memref<32x128xf32, #tpu.memory_space<hbm>>
      %dma_wait3A_106 = arith.constant 0 : i32
      %dma_wait3A_107 = tpu.memref_slice %arg4[%arg0, %add3A_87, %dma_wait3A_106] : memref<2x10112x128xf32, #tpu.memory_space<hbm>> -> memref<1x32x128xf32, #tpu.memory_space<hbm>>
      %dma_wait3A_108 = tpu.memref_squeeze %dma_wait3A_107 : memref<1x32x128xf32, #tpu.memory_space<hbm>> -> memref<32x128xf32, #tpu.memory_space<hbm>>
      %dma_wait3A_109 = arith.constant 0 : i32
      %dma_wait3A_110 = arith.constant 0 : i32
      %dma_wait3A_111 = tpu.memref_slice %arg6[%dma_wait3A_109, %dma_wait3A_110] : memref<120x128xf32, #tpu.memory_space<vmem>> -> memref<32x128xf32, #tpu.memory_space<vmem>>
      tpu.wait_dma2 semaphore(%run_scoped3A_88 : memref<!tpu.dma_semaphore, #tpu.memory_space<semaphore_mem>>) src(%dma_wait3A_111 : memref<32x128xf32, #tpu.memory_space<vmem>>) dst(%dma_wait3A_108 : memref<32x128xf32, #tpu.memory_space<hbm>>)
      tpu.yield
    }) : () -> ()
    return
  }
}

module attributes {stable_mosaic.version = 14 : i64} {
  func.func @_mm_body(%arg0: i32, %arg1: memref<400x128xf32, #tpu.memory_space<vmem>>, %arg2: memref<2x400x128xf32, #tpu.memory_space<vmem>>, %arg3: memref<128x256xf32, #tpu.memory_space<vmem>>, %arg4: memref<1x256xf32, #tpu.memory_space<vmem>>, %arg5: memref<400x256xf32, #tpu.memory_space<vmem>>) attributes {dimension_semantics = [#tpu.dimension_semantics<arbitrary>], iteration_bounds = array<i64: 25>, scalar_prefetch = 0 : i64, scratch_operands = 0 : i64, tpu.core_type = #tpu.core_type<tc>, window_params = [{transform_indices = @transform_0, window_bounds = array<i64: 400, 128>}, {transform_indices = @transform_1, window_bounds = array<i64: 2, 400, 128>}, {pipeline_mode = #tpu.pipeline_mode<synchronous>, transform_indices = @transform_2, window_bounds = array<i64: 128, 256>}, {pipeline_mode = #tpu.pipeline_mode<synchronous>, transform_indices = @transform_3, window_bounds = array<i64: 1, 256>}, {transform_indices = @transform_4, window_bounds = array<i64: 400, 256>}]} {
    %mul3A = arith.constant 400 : i32
    %mul3A_0 = arith.muli %mul3A, %arg0 : i32
    %iota3A = tpu.iota {dimensions = array<i32: 0>} : vector<400x1xi32>
    %add3A = vector.broadcast %mul3A_0 : i32 to vector<400x1xi32>
    %add3A_1 = arith.addi %add3A, %iota3A : vector<400x1xi32>
    %lt3A = arith.constant 2560 : i32
    %lt3A_2 = vector.broadcast %lt3A : i32 to vector<400x1xi32>
    %lt3A_3 = arith.cmpi slt, %add3A_1, %lt3A_2 : vector<400x1xi32>
    %convert_element_type3A = arith.extui %lt3A_3 : vector<400x1xi1> to vector<400x1xi32>
    %convert_element_type3A_4 = arith.sitofp %convert_element_type3A : vector<400x1xi32> to vector<400x1xf32>
    %add3A_5 = arith.constant 0.000000e+00 : f32
    %add3A_6 = vector.broadcast %add3A_5 : f32 to vector<400x1xf32>
    %add3A_7 = arith.addf %add3A_6, %convert_element_type3A_4 : vector<400x1xf32>
    %mul3A_8 = arith.constant 2.000000e+00 : f32
    %mul3A_9 = vector.broadcast %mul3A_8 : f32 to vector<400x1xf32>
    %mul3A_10 = arith.mulf %mul3A_9, %add3A_7 : vector<400x1xf32>
    %sub3A = arith.constant 1.000000e+00 : f32
    %sub3A_11 = vector.broadcast %sub3A : f32 to vector<400x1xf32>
    %sub3A_12 = arith.subf %sub3A_11, %mul3A_10 : vector<400x1xf32>
    %get3A = arith.constant 0 : index
    %get3A_13 = arith.constant 0 : index
    %get3A_14 = vector.load %arg1[%get3A, %get3A_13] : memref<400x128xf32, #tpu.memory_space<vmem>>, vector<400x128xf32>
    %mul3A_15 = vector.broadcast %sub3A_12 : vector<400x1xf32> to vector<400x128xf32>
    %mul3A_16 = arith.mulf %mul3A_15, %get3A_14 : vector<400x128xf32>
    %get3A_17 = arith.constant 0 : index
    %get3A_18 = arith.constant 0 : index
    %get3A_19 = arith.constant 0 : index
    %get3A_20 = vector.load %arg2[%get3A_17, %get3A_18, %get3A_19] : memref<2x400x128xf32, #tpu.memory_space<vmem>>, vector<1x400x128xf32>
    %get3A_21 = vector.shape_cast %get3A_20 : vector<1x400x128xf32> to vector<400x128xf32>
    %add3A_22 = arith.addf %mul3A_16, %get3A_21 : vector<400x128xf32>
    %get3A_23 = arith.constant 1 : index
    %get3A_24 = arith.constant 0 : index
    %get3A_25 = arith.constant 0 : index
    %get3A_26 = vector.load %arg2[%get3A_23, %get3A_24, %get3A_25] : memref<2x400x128xf32, #tpu.memory_space<vmem>>, vector<1x400x128xf32>
    %get3A_27 = vector.shape_cast %get3A_26 : vector<1x400x128xf32> to vector<400x128xf32>
    %add3A_28 = arith.addf %add3A_22, %get3A_27 : vector<400x128xf32>
    %get3A_29 = arith.constant 0 : index
    %get3A_30 = arith.constant 0 : index
    %get3A_31 = vector.load %arg3[%get3A_29, %get3A_30] : memref<128x256xf32, #tpu.memory_space<vmem>>, vector<128x256xf32>
    %dot_general3A = arith.constant dense<0.000000e+00> : vector<400x256xf32>
    %dot_general3A_32 = tpu.matmul %add3A_28, %get3A_31, %dot_general3A {dimension_numbers = #tpu.dot_dimension_numbers<[1], [0], [0], [1], [0, 0, 1, 1], [], []>, transpose_lhs_hint = false} : vector<400x128xf32>, vector<128x256xf32>, vector<400x256xf32> -> vector<400x256xf32>
    %get3A_33 = arith.constant 0 : index
    %get3A_34 = arith.constant 0 : index
    %get3A_35 = vector.load %arg4[%get3A_33, %get3A_34] : memref<1x256xf32, #tpu.memory_space<vmem>>, vector<1x256xf32>
    %mul3A_36 = arith.constant 3.000000e+00 : f32
    %mul3A_37 = vector.broadcast %mul3A_36 : f32 to vector<1x256xf32>
    %mul3A_38 = arith.mulf %mul3A_37, %get3A_35 : vector<1x256xf32>
    %add3A_39 = vector.broadcast %mul3A_38 : vector<1x256xf32> to vector<400x256xf32>
    %add3A_40 = arith.addf %dot_general3A_32, %add3A_39 : vector<400x256xf32>
    %swap3A = arith.constant 0 : index
    %swap3A_41 = arith.constant 0 : index
    %swap3A_42 = vector.load %arg5[%swap3A, %swap3A_41] : memref<400x256xf32, #tpu.memory_space<vmem>>, vector<400x256xf32>
    tpu.vector_store %arg5[%swap3A, %swap3A_41], %add3A_40 {strides = array<i32>} : memref<400x256xf32, #tpu.memory_space<vmem>>, vector<400x256xf32>,
    return
  }
  func.func @transform_0(%arg0: i32) -> (i32, i32) {
    %c0_i32 = arith.constant 0 : i32
    %c0_i32_0 = arith.constant 0 : i32
    return %arg0, %c0_i32 : i32, i32
  }
  func.func @transform_1(%arg0: i32) -> (i32, i32, i32) {
    %c0_i32 = arith.constant 0 : i32
    %c0_i32_0 = arith.constant 0 : i32
    %c0_i32_1 = arith.constant 0 : i32
    return %c0_i32, %arg0, %c0_i32_0 : i32, i32, i32
  }
  func.func @transform_2(%arg0: i32) -> (i32, i32) {
    %c0_i32 = arith.constant 0 : i32
    %c0_i32_0 = arith.constant 0 : i32
    %c0_i32_1 = arith.constant 0 : i32
    return %c0_i32, %c0_i32_0 : i32, i32
  }
  func.func @transform_3(%arg0: i32) -> (i32, i32) {
    %c0_i32 = arith.constant 0 : i32
    %c0_i32_0 = arith.constant 0 : i32
    %c0_i32_1 = arith.constant 0 : i32
    return %c0_i32, %c0_i32_0 : i32, i32
  }
  func.func @transform_4(%arg0: i32) -> (i32, i32) {
    %c0_i32 = arith.constant 0 : i32
    %c0_i32_0 = arith.constant 0 : i32
    return %arg0, %c0_i32 : i32, i32
  }
}

</mosaic_0001>

<sc_bundles>
// kernel: kernel.4.cloned.1.call-start
scs
__scs_entry_jumppad:
0x0: {  	(pc) =	sbr.rel $0x88, $3  }
0x1: {  	(tag) =	ssettag $0x0;
	lr =	simm.s32 $0x1  }
0x2: {  	[smem:$0x3F9D] =	sst lr;
	_ =	strace $0xD0000000  }
0x3: {  	_ = 	snop  }
0x4: {  	_ = 	snop  }
0x5: {  	_ = 	snop  }
0x6: {  	_ = 	snop  }
0x7: {  	_ = 	snop  }
__scs_overlays_trampoline_lowered:
0x8: {  	[smem:$0x3FAC] =	sst s0  }
0x9: {  	[smem:$0x3FAD] =	sst s1  }
0xa: {  	[smem:$0x3FAE] =	sst s2  }
0xb: {  	[smem:$0x3FAF] =	sst s3  }
0xc: {  	[smem:$0x3FB0] =	sst s4  }
0xd: {  	[smem:$0x3FB1] =	sst s5  }
0xe: {  	[smem:$0x3FB2] =	sst s6  }
0xf: {  	[smem:$0x3FB3] =	sst s7  }
0x10: {  	[smem:$0x3FB4] =	sst s8  }
0x11: {  	[smem:$0x3FB5] =	sst s9;
	s0 =	simm.s32 @!p0 $0x0  }
0x12: {  	s1 =	sld [smem:$0x3F9B];
	s0 =	simm.s32 @p0 $0x1  }
0x13: {  	[smem:$0x3FB6] =	sst s0;
	s0 =	simm.s32 @!p1 $0x0  }
0x14: {  	s2 =	sld [smem:$0x3F9A];
	s0 =	simm.s32 @p1 $0x1  }
0x15: {  	[smem:$0x3FB7] =	sst s0;
	s0 =	simm.s32 @!p2 $0x0  }
0x16: {  	s3 =	sld [smem:$0x3FDB];
	s0 =	simm.s32 @p2 $0x1  }
0x17: {  	s4 =	simm.s32 $0x1BF5;
	[smem:$0x3FB9] =	sst s0  }
0x18: {  	s0 =	sld [smem:$0x3F9C];
	_ =	swait.ge [sflag:s4], $0x0  }
0x19: {  	s7 =	sld [smem:$0x3F9D]  }
0x1a: {  	s8 =	sadd.s32 $0xFFFFE003, lr  }
0x1b: {  	s9 =	sadd.s32 $0xFFFFFEF7, lr;
	s5 =	simm.s32 $0xFFFFFFFF;
	p2 =	slt.u32 s8, $0xFFFFF086  }
0x1c: {  	p1 =	slt.u32 s9, $0xF7A;
	s5 =	simm.s32 @!p2 $0x0  }
0x1d: {  	s5 =	simm.s32 @p1 $0x1;
	p0 =	seq.s32 s7, s2  }
0x1e: {  	s7 =	smul.u32 @!p0 $0xF7A, s2;
	p2 =	seq.s32 @!p0 s5, $0x0  }
0x1f: {  	s9 =	smul.u32 $0xF7A, s1;
	s8 =	simm.s32 @!p0 $0x1BF5;
	p2 =	por !p2, p0  }
0x20: {  	[sflag:s8] =	ssyncset.s32 @!p0 $0xFFFFF086;
	s6 =	sadd.s32 @!p0 s3, s7;
	s7 =	simm.s32 @!p0 $0x108  }
0x21: {  	s3 =	sadd.s32 s3, s9;
	s6 =	sadd.s32 @!p0 $0x88, s6;
	s7 =	simm.s32 @p2 $0x1082  }
0x22: {  	[simem:s7], [sflag:s8] =	dma.local @!p0 [hbm:s6], $0xF7A  }
0x23: {  	s9 =	sor.u32 $0xD0000000, s2;
	s6 =	simm.s32 $0x108;
	_ =	swait.ge @!p0 [sflag:s8], $0x0  }
0x24: {  	s3 =	sadd.s32 $0x88, s3;
	s6 =	simm.s32 @!p1 $0x1082;
	[sflag:s4] =	ssyncset.s32 $0xFFFFF086  }
0x25: {  	[simem:s6], [sflag:s4] =	dma.local [hbm:s3], $0xF7A  }
0x26: {  	[smem:$0x3F9D] =	sst s1;
	(tag) =	ssettag s2;
	_ =	strace s9  }
0x27: {  	s1 =	sld [smem:$0x3FAD]  }
0x28: {  	s2 =	sld [smem:$0x3FAE]  }
0x29: {  	s4 =	sld [smem:$0x3FB0]  }
0x2a: {  	p0 =	seq.s32 s5, $0x0;
	s5 =	sld [smem:$0x3FB1]  }
0x2b: {  	s6 =	sld [smem:$0x3FB2]  }
0x2c: {  	s7 =	sld [smem:$0x3FB3]  }
0x2d: {  	s3 =	simm.s32 $0x108;
	s8 =	sld [smem:$0x3FB4]  }
0x2e: {  	s3 =	simm.s32 @!p0 $0x1082;
	s9 =	sld [smem:$0x3FB5]  }
0x2f: {  	lr =	sadd.s32 s0, s3;
	s0 =	sld [smem:$0x3FAC]  }
0x30: {  	s3 =	sld [smem:$0x3FAF]  }
0x31: {  	[smem:$0x3FB8] =	sst s10  }
0x32: {  	s10 =	sld [smem:$0x3FB6];
	_ =	sdelay $0x3  }
0x33: {  	p0 =	seq.s32 s10, $0x1;
	s10 =	sld [smem:$0x3FB8];
	_ =	sdelay $0x3  }
0x34: {  	[smem:$0x3FB8] =	sst s10  }
0x35: {  	s10 =	sld [smem:$0x3FB7];
	_ =	sdelay $0x3  }
0x36: {  	p1 =	seq.s32 s10, $0x1;
	s10 =	sld [smem:$0x3FB8];
	_ =	sdelay $0x3  }
0x37: {  	[smem:$0x3FB8] =	sst s10  }
0x38: {  	s10 =	sld [smem:$0x3FB9]  }
0x39: {  	_ = 	snop;
	(pc) =	sbr.ind lr, $3  }
0x3a: {  	_ = 	snop  }
0x3b: {  	_ = 	snop  }
0x3c: {  	p2 =	seq.s32 s10, $0x1;
	s10 =	sld [smem:$0x3FB8]  }
0x3d: {  	_ =	shalt  }
0x3e: {  	_ =	shalt  }
0x3f: {  	_ =	shalt  }
0x40: {  	_ =	shalt  }
0x41: {  	_ =	shalt  }
0x42: {  	_ =	shalt  }
0x43: {  	_ =	shalt  }
0x44: {  	_ =	shalt  }
0x45: {  	_ =	shalt  }
0x46: {  	_ =	shalt  }
0x47: {  	_ =	shalt  }
0x48: {  	_ =	shalt  }
0x49: {  	_ =	shalt  }
0x4a: {  	_ =	shalt  }
0x4b: {  	_ =	shalt  }
0x4c: {  	_ =	shalt  }
0x4d: {  	_ =	shalt  }
0x4e: {  	_ =	shalt  }
0x4f: {  	_ =	shalt  }
0x50: {  	_ =	shalt  }
0x51: {  	_ =	shalt  }
0x52: {  	_ =	shalt  }
0x53: {  	_ =	shalt  }
0x54: {  	_ =	shalt  }
0x55: {  	_ =	shalt  }
0x56: {  	_ =	shalt  }
0x57: {  	_ =	shalt  }
0x58: {  	_ =	shalt  }
0x59: {  	_ =	shalt  }
0x5a: {  	_ =	shalt  }
0x5b: {  	_ =	shalt  }
0x5c: {  	_ =	shalt  }
0x5d: {  	_ =	shalt  }
0x5e: {  	_ =	shalt  }
0x5f: {  	_ =	shalt  }
0x60: {  	_ =	shalt  }
0x61: {  	_ =	shalt  }
0x62: {  	_ =	shalt  }
0x63: {  	_ =	shalt  }
0x64: {  	_ =	shalt  }
0x65: {  	_ =	shalt  }
0x66: {  	_ =	shalt  }
0x67: {  	_ =	shalt  }
0x68: {  	_ =	shalt  }
0x69: {  	_ =	shalt  }
0x6a: {  	_ =	shalt  }
0x6b: {  	_ =	shalt  }
0x6c: {  	_ =	shalt  }
0x6d: {  	_ =	shalt  }
0x6e: {  	_ =	shalt  }
0x6f: {  	_ =	shalt  }
0x70: {  	_ =	shalt  }
0x71: {  	_ =	shalt  }
0x72: {  	_ =	shalt  }
0x73: {  	_ =	shalt  }
0x74: {  	_ =	shalt  }
0x75: {  	_ =	shalt  }
0x76: {  	_ =	shalt  }
0x77: {  	_ =	shalt  }
0x78: {  	_ =	shalt  }
0x79: {  	_ =	shalt  }
0x7a: {  	_ =	shalt  }
0x7b: {  	_ =	shalt  }
0x7c: {  	_ =	shalt  }
0x7d: {  	_ =	shalt  }
0x7e: {  	_ =	shalt  }
0x7f: {  	_ =	shalt  }
0x80: {  	_ =	shalt  }
0x81: {  	_ =	shalt  }
0x82: {  	_ =	shalt  }
0x83: {  	_ =	shalt  }
0x84: {  	_ =	shalt  }
0x85: {  	_ =	shalt  }
0x86: {  	_ =	shalt  }
0x87: {  	_ =	shalt  }
.Lfunc_end0:
.L_simem_size_0:
called_computation_lowered:
.L_overlay_start_0:
0x88: {  	s2 =	sld [smem:$0x3FD9]  }
0x89: {  	s3 =	sld [smem:$0x3FFE];
	_ =	sdelay $0x1  }
0x8a: {  	s1 =	srdreg.scid  }
0x8b: {  	s0 =	sand.u32 $0x1, s1  }
0x8c: {  	s17 =	sshll.u32 s0, $0xA;
	s2 =	sadd.s32 s3, s2  }
0x8d: {  	s2 =	sadd.s32 s2, s17  }
0x8e: {  	[smem:$0x3FC4] =	sst s2  }
0x8f: {  	_ = 	snop  }
0x90: {  	s2 =	sld [smem:$0x3FC9]  }
0x91: {  	s18 =	sld [smem:$0x3FD0];
	(tm) =	ssettm $0x1  }
0x92: {  	s4 =	sld [smem:$0x3FFB];
	_ =	sdelay $0x3  }
0x93: {  	_ =	strace s4  }
0x94: {  	s4 =	sld [smem:$0x3FFC];
	_ =	sdelay $0x3  }
0x95: {  	_ =	strace s4  }
0x96: {  	s4 =	sld [smem:$0x3FFD];
	_ =	sdelay $0x3  }
0x97: {  	_ =	strace s4  }
0x98: {  	_ =	strace $0x8FFFFFFF  }
0x99: {  	s19 =	sld [smem:$0x3FDB];
	_ =	sdelay $0x1  }
0x9a: {  	s5 =	simm.s32 $_scs_section_size  }
0x9b: {  	s6 =	simm.s32 $_size__tile_overlayer_lowered;
	s7 =	simm.s32 $_tile_overlayer_lowered  }
0x9c: {  	s22 =	simm.s32 $0x1BFF;
	s21 =	sshll.u32 s7, $0x1;
	s4 =	sadd.s32 s5, s19  }
0x9d: {  	s8 =	simm.s32 $0x0;
	s20 =	sshll.u32 s6, $0x1;
	s6 =	sadd.s32 s21, s4  }
0x9e: {  	[timem:s8], [sflag:s22] =	dma.local [hbm:s6], s20  }
0x9f: {  	_ =	swait.ge [sflag:s22], s20  }
0xa0: {  	s5 =	ssub.s32 $0x0, s20;
	[sflag:s22] =	ssyncset.done $0x0  }
0xa1: {  	[sflag:s22] =	ssyncadd.s32 s5;
	_ =	sdelay $0x1  }
0xa2: {  	s23 =	simm.s32 $0x1B8B  }
0xa3: {  	_ =	swait.ge [sflag:s23], $0x1  }
0xa4: {  	[sflag:s23] =	ssyncset.done $0x0  }
0xa5: {  	s25 =	simm.s32 $0x1B8E;
	s24 =	sld [smem:$0x3FFE];
	[sflag:s23] =	ssyncadd.s32 $0xFFFFFFFF  }
0xa6: {  	s26 =	simm.s32 $execute0_lowered;
	[smem:$0x3FD2] =	sst s25  }
0xa7: {  	s6 =	sshll.u32 s26, $0x1;
	_ =	strace $0x80000046;
	[dreg:$0x1] =	wrdreg $0xFFFFFFFF  }
0xa8: {  	s28 =	simm.s32 $_size_execute0_lowered;
	s4 =	sadd.s32 s4, s6;
	[dreg:$0x0] =	wrdreg $0x0  }
0xa9: {  	s6 =	sshll.u32 s28, $0x1;
	[dreg:$0x2] =	wrdreg s4  }
0xaa: {  	[dreg:$0x3] =	wrdreg s6  }
0xab: {  	[dreg:$0x4] =	wrdreg $0xC0  }
0xac: {  	_ =	task [dreg:s8], $0x5FFFF  }
0xad: {  	[dreg:$0x1] =	wrdreg $0xFFFFFFFF  }
0xae: {  	[dreg:$0x0] =	wrdreg $0x60  }
0xaf: {  	[dreg:$0x2] =	wrdreg s2  }
0xb0: {  	[dreg:$0x3] =	wrdreg s18  }
0xb1: {  	[dreg:$0x4] =	wrdreg s24  }
0xb2: {  	[dreg:$0x5] =	wrdreg $0x0  }
0xb3: {  	[dreg:$0x6] =	wrdreg $0x9  }
0xb4: {  	_ =	task.clear_ibuf [dreg:s8], $0x7FFFF;
	_ =	strace $0x90000046  }
0xb5: {  	s29 =	simm.s32 $0x9;
	_ =	strace $0x80000048  }
0xb6: {  	_ =	swait.ge [sflag:s29], $0x1  }
0xb7: {  	[sflag:s29] =	ssyncadd.s32 $0xFFFFFFFF  }
0xb8: {  	_ =	strace $0x90000048  }
0xb9: {  	_ =	sfence  }
0xba: {  	s30 =	sld [smem:$0x0];
	_ =	sdelay $0x2  }
0xbb: {  	s31 =	sshll.u32 s1, $0xD;
	s1 =	sshrl.u32 s1, $0x2  }
0xbc: {  	s3 =	sand.u32 $0x4000, s31;
	s1 =	sadd.s32 s1, s30  }
0xbd: {  	s0 =	sor.u32 s3, s0;
	s1 =	sshll.u32 s1, $0x11  }
0xbe: {  	s0 =	sor.u32 s1, s0  }
0xbf: {  	s0 =	sadd.s32 $0x8F2B, s0  }
0xc0: {  	[sflag:s0] =	ssyncadd.remote.s32 $0x1  }
0xc1: {  	_ =	sfence.sel $0xFFFF  }
0xc2: {  	[dreg:$0x0] =	wrdreg $0xFFFFFFFF;
	(pc) =	sbr.abs _section_cstart, $3  }
0xc3: {  	[dreg:$0x1] =	wrdreg $0xFFFFFFFF  }
0xc4: {  	_ =	task.clear_ibuf [dreg:s8], $0x2FFFF;
	_ =	strace $0x9FFFFFFF  }
0xc5: {  	(tm) =	ssettm $0x7FFFFFFF  }
tec
execute0_lowered:
.L_overlay_start_1:
0x0: {  	(tag) =	ssettag $0x1  }
0x1: {  	s1 =	rddreg [dreg:$0x0]  }
0x2: {  	s0 =	rddreg [dreg:$0x1]  }
0x3: {  	s2 =	rddreg [dreg:$0x2]  }
0x4: {  	s3 =	rddreg [dreg:$0x3]  }
0x5: {  	s4 =	srdreg.scid;
	s11 =	stileid.u32  }
0x6: {  	s28 =	simm.s32 $0x1F600;
	s29 =	simm.s32 $0x78;
	s30 =	simm.s32 $0x17800  }
0x7: {  	s31 =	simm.s32 $0x1;
	s5 =	sand.u32 $0x1, s4;
	s7 =	smul.u32 $0x4F000, s11  }
0x8: {  	s4 =	simm.s32 $0x0;
	s9 =	smul.u32 $0x13C00, s11;
	s2 =	sadd.s32 $0x1200, s2  }
0x9: {  	s21 =	sshll.u32 s11, $0x1;
	s20 =	smul.u32 $0x7000, s11;
	s6 =	ssub.s32 $0x2, s5  }
0xa: {  	[smem:$0x7FF] =	sst s4;
	s16 =	smul.u32 $0x13C000, s5;
	s8 =	sshrl.u32 s6, $0x1  }
0xb: {  	_ =	strace $0x80000047;
	s7 =	sshrl.u32 s7, $0x2;
	s10 =	sadd.s32 $0x3C00, s9  }
0xc: {  	s22 =	sadd.s32 $0x7800, s9;
	s13 =	sadd.s32 $0xB400, s9;
	s25 =	sadd.s32 $0xF000, s9  }
0xd: {  	s15 =	sadd.s32 $0x12C00, s9;
	s6 =	ssub.s32 s6, s8;
	s8 =	sor.u32 s5, s21  }
0xe: {  	s12 =	sadd.s32 s7, s3;
	s24 =	sadd.s32 s10, s3;
	s14 =	sadd.s32 s22, s3  }
0xf: {  	s23 =	sadd.s32 s13, s3;
	s17 =	sadd.s32 s25, s3;
	s26 =	sadd.s32 s15, s3  }
0x10: {  	s9 =	sadd.s32 s9, s16;
	s7 =	sadd.s32 s16, s22;
	[dreg:$0x7] =	wrdreg s14  }
0x11: {  	s19 =	sadd.s32 s16, s13;
	s21 =	sadd.s32 s16, s25;
	[dreg:$0x8] =	wrdreg s23  }
0x12: {  	s5 =	smul.u32 $0x3800, s5;
	s13 =	simm.s32 $0x2;
	[dreg:$0x9] =	wrdreg s17  }
0x13: {  	s8 =	smul.u32 $0x3800, s8;
	[dreg:$0xa] =	wrdreg s26;
	s17 =	sadd.s32 s16, s10  }
0x14: {  	s7 =	sshrl.u32 s7, $0x3;
	s22 =	sshrl.u32 s21, $0x3;
	s23 =	sadd.s32 s16, s15  }
0x15: {  	s6 =	smax.u32 s6, $0x1;
	s14 =	simm.s32 $0x1F280;
	[dreg:$0x5] =	wrdreg s12  }
0x16: {  	s15 =	simm.s32 $0x3;
	s16 =	simm.s32 $0x1F100;
	[dreg:$0x6] =	wrdreg s24  }
0x17: {  	s7 =	sadd.s32 s2, s7;
	s25 =	sshrl.u32 s23, $0x3;
	s5 =	sadd.s32 s5, s20  }
0x18: {  	[dreg:$0x13] =	wrdreg s6;
	s23 =	simm.s32 $0x6;
	s6 =	simm.s32 $0x1F500  }
0x19: {  	s8 =	sshrl.u32 s8, $0x3;
	[dreg:$0xf] =	wrdreg s7;
	s7 =	sshrl.u32 s19, $0x3  }
0x1a: {  	s26 =	sor.u32 $0x600, s5;
	s5 =	sor.u32 $0x400, s5;
	s8 =	sadd.s32 s0, s8  }
0x1b: {  	s19 =	simm.s32 $0x1F480;
	s7 =	sadd.s32 s2, s7;
	[dreg:$0xb] =	wrdreg s8  }
0x1c: {  	s5 =	sshrl.u32 s5, $0x3;
	s8 =	sadd.s32 $0x40, s8;
	[dreg:$0x10] =	wrdreg s7  }
0x1d: {  	s7 =	sadd.s32 s2, s22;
	s21 =	sadd.s32 s5, s0;
	s22 =	simm.s32 $0x13C00  }
0x1e: {  	s5 =	simm.s32 $0x1F680;
	[dreg:$0xc] =	wrdreg s8;
	s8 =	sshrl.u32 s9, $0x3  }
0x1f: {  	s9 =	sshrl.u32 s17, $0x3;
	[dreg:$0x11] =	wrdreg s7;
	s8 =	sadd.s32 s2, s8  }
.Ltmp0:
0x20: {  	s18 =	sadd.s32 s2, s9;
	[dreg:$0xd] =	wrdreg s8;
	(pc) =	sbr.rel .LBB2_1-.Ltmp0, $4  }
0x21: {  	s17 =	simm.s32 $0x1F300;
	s2 =	sadd.s32 s2, s25;
	[dreg:$0xe] =	wrdreg s18  }
0x22: {  	s7 =	simm.s32 $0x0;
	s25 =	simm.s32 $0x1F200;
	[dreg:$0x12] =	wrdreg s2  }
0x23: {  	s2 =	sshrl.u32 s26, $0x3;
	s26 =	simm.s32 $0x1F400;
	s18 =	simm.s32 $0x5  }
0x24: {  	v0 =	vimm.f32 $0.0e+00;
	s20 =	sadd.s32 s2, s0;
	s0 =	simm.s32 $0x1F080;
	s2 =	simm.s32 $0x1B400  }
.LBB2_6:
0x25: {  	[bflag:$0x0] =	sbarrier.arrive $0xFFFF  }
0x26: {  	s12 =	rddreg [dreg:$0x5]  }
0x27: {  	[tilespmem:s22], [sflag:$0x6] =	stream.linear.gather [spmem:s12], $0x3C00, $0x38;
	[tilespmem:$0x1F800] =	vst v63  }
0x28: {  	_ =	swait.ge [sflag:s23], $0x3C00  }
0x29: {  	[sflag:s23] =	ssyncset.done $0x0  }
0x2a: {  	s8 =	rddreg [dreg:$0xd];
	[sflag:s23] =	ssyncadd.s32 $0xFFFFC400  }
0x2b: {  	[hbm4b:s8+s4] =	stream.linear.scatter [tilespmem:s22], [sflag:$0x6], $0x3C00, $0x38;
	[tilespmem:$0x1F800] =	vst v63  }
0x2c: {  	_ =	swait.ge [sflag:s23], $0x3C00  }
0x2d: {  	[sflag:s23] =	ssyncset.done $0x0  }
0x2e: {  	s24 =	rddreg [dreg:$0x6];
	[sflag:s23] =	ssyncadd.s32 $0xFFFFC400  }
0x2f: {  	[tilespmem:s22], [sflag:$0x6] =	stream.linear.gather [spmem:s24], $0x3C00, $0x38;
	[tilespmem:$0x1F800] =	vst v63  }
0x30: {  	_ =	swait.ge [sflag:s23], $0x3C00  }
0x31: {  	[sflag:s23] =	ssyncset.done $0x0  }
0x32: {  	s10 =	rddreg [dreg:$0xe];
	[sflag:s23] =	ssyncadd.s32 $0xFFFFC400  }
0x33: {  	[hbm4b:s10+s4] =	stream.linear.scatter [tilespmem:s22], [sflag:$0x6], $0x3C00, $0x38;
	[tilespmem:$0x1F800] =	vst v63  }
0x34: {  	_ =	swait.ge [sflag:s23], $0x3C00  }
0x35: {  	[sflag:s23] =	ssyncset.done $0x0  }
0x36: {  	s11 =	rddreg [dreg:$0x7];
	[sflag:s23] =	ssyncadd.s32 $0xFFFFC400  }
0x37: {  	[tilespmem:s22], [sflag:$0x6] =	stream.linear.gather [spmem:s11], $0x3C00, $0x38;
	[tilespmem:$0x1F800] =	vst v63  }
0x38: {  	_ =	swait.ge [sflag:s23], $0x3C00  }
0x39: {  	[sflag:s23] =	ssyncset.done $0x0  }
0x3a: {  	s7 =	rddreg [dreg:$0xf];
	[sflag:s23] =	ssyncadd.s32 $0xFFFFC400  }
0x3b: {  	[hbm4b:s7+s4] =	stream.linear.scatter [tilespmem:s22], [sflag:$0x6], $0x3C00, $0x38;
	[tilespmem:$0x1F800] =	vst v63  }
0x3c: {  	_ =	swait.ge [sflag:s23], $0x3C00  }
0x3d: {  	[sflag:s23] =	ssyncset.done $0x0  }
0x3e: {  	s9 =	rddreg [dreg:$0x8];
	[sflag:s23] =	ssyncadd.s32 $0xFFFFC400  }
0x3f: {  	[tilespmem:s22], [sflag:$0x6] =	stream.linear.gather [spmem:s9], $0x3C00, $0x38;
	[tilespmem:$0x1F800] =	vst v63  }
0x40: {  	_ =	swait.ge [sflag:s23], $0x3C00  }
0x41: {  	[sflag:s23] =	ssyncset.done $0x0  }
0x42: {  	s10 =	rddreg [dreg:$0x10];
	[sflag:s23] =	ssyncadd.s32 $0xFFFFC400  }
0x43: {  	[hbm4b:s10+s4] =	stream.linear.scatter [tilespmem:s22], [sflag:$0x6], $0x3C00, $0x38;
	[tilespmem:$0x1F800] =	vst v63  }
0x44: {  	_ =	swait.ge [sflag:s23], $0x3C00  }
0x45: {  	[sflag:s23] =	ssyncset.done $0x0  }
0x46: {  	s11 =	rddreg [dreg:$0x9];
	[sflag:s23] =	ssyncadd.s32 $0xFFFFC400  }
0x47: {  	[tilespmem:s22], [sflag:$0x6] =	stream.linear.gather [spmem:s11], $0x3C00, $0x38;
	[tilespmem:$0x1F800] =	vst v63  }
0x48: {  	_ =	swait.ge [sflag:s23], $0x3C00  }
0x49: {  	[sflag:s23] =	ssyncset.done $0x0  }
0x4a: {  	s7 =	rddreg [dreg:$0x11];
	[sflag:s23] =	ssyncadd.s32 $0xFFFFC400  }
0x4b: {  	[hbm4b:s7+s4] =	stream.linear.scatter [tilespmem:s22], [sflag:$0x6], $0x3C00, $0x38;
	[tilespmem:$0x1F800] =	vst v63  }
0x4c: {  	_ =	swait.ge [sflag:s23], $0x3C00  }
0x4d: {  	[sflag:s23] =	ssyncset.done $0x0  }
0x4e: {  	s9 =	rddreg [dreg:$0xa];
	[sflag:s23] =	ssyncadd.s32 $0xFFFFC400  }
0x4f: {  	[tilespmem:s22], [sflag:$0x6] =	stream.linear.gather [spmem:s9], $0x1000, $0x38;
	[tilespmem:$0x1F800] =	vst v63  }
0x50: {  	_ =	swait.ge [sflag:s23], $0x1000  }
0x51: {  	[sflag:s23] =	ssyncset.done $0x0  }
0x52: {  	s10 =	rddreg [dreg:$0x12];
	[sflag:s23] =	ssyncadd.s32 $0xFFFFF000  }
0x53: {  	[hbm4b:s10+s4] =	stream.linear.scatter [tilespmem:s22], [sflag:$0x6], $0x1000, $0x38;
	[tilespmem:$0x1F800] =	vst v63  }
0x54: {  	_ =	swait.ge [sflag:s23], $0x1000  }
0x55: {  	s7 =	rddreg [dreg:$0x14]  }
0x56: {  	s11 =	rddreg [dreg:$0x13];
	s7 =	sadd.s32 $0x1, s7  }
0x57: {  	p0 =	sne.s32 s7, s11  }
.Ltmp1:
0x58: {  	_ = 	snop;
	(pc) =	sbr.rel @!p0 .LBB2_7-.Ltmp1, $3  }
0x59: {  	_ =	sdelay $0x1  }
0x5a: {  	[sflag:s23] =	ssyncset.done $0x0  }
0x5b: {  	[sflag:s23] =	ssyncadd.s32 $0xFFFFF000  }
.LBB2_1:
0x5c: {  	[dreg:$0x14] =	wrdreg s7;
	s9 =	simm.s32 $0x0;
	s10 =	simm.s32 $0x200  }
.LBB2_2:
0x5d: {  	p0 =	sne.s32 s10, $0xEE00;
	[tilespmem:s9+$0x13C70] =	vst v0  }
0x5e: {  	[tilespmem:s9+$0x13C00] =	vst v0  }
0x5f: {  	[tilespmem:s9+$0x13C10] =	vst v0  }
.Ltmp2:
0x60: {  	[tilespmem:s9+$0x13C20] =	vst v0;
	(pc) =	sbr.rel @p0 .LBB2_2-.Ltmp2, $4  }
0x61: {  	[tilespmem:s9+$0x13C30] =	vst v0  }
0x62: {  	[tilespmem:s9+$0x13C40] =	vst v0  }
0x63: {  	[tilespmem:s9+$0x13C50] =	vst v0  }
0x64: {  	[tilespmem:s9+$0x13C60] =	vst v0;
	s9 =	sshra.s32 s10, $0x2;
	s10 =	sadd.s32 $0x200, s10  }
0x65: {  	[tilespmem:s9+$0x13C70] =	vst v0  }
0x66: {  	[tilespmem:s9+$0x13C00] =	vst v0  }
0x67: {  	[tilespmem:s9+$0x13C10] =	vst v0  }
0x68: {  	[tilespmem:s9+$0x13C20] =	vst v0  }
0x69: {  	[tilespmem:s9+$0x13C30] =	vst v0  }
0x6a: {  	[tilespmem:s9+$0x13C40] =	vst v0  }
0x6b: {  	[tilespmem:s9+$0x13C50] =	vst v0  }
0x6c: {  	[tilespmem:s9+$0x13C60] =	vst v0  }
0x6d: {  	[spmem:s12] =	stream.linear.scatter [tilespmem:s22], [sflag:$0x6], $0x3C00, $0x38;
	[tilespmem:$0x1F800] =	vst v63  }
0x6e: {  	_ =	swait.ge [sflag:s23], $0x3C00  }
0x6f: {  	[sflag:s23] =	ssyncset.done $0x0  }
0x70: {  	[sflag:s23] =	ssyncadd.s32 $0xFFFFC400  }
0x71: {  	[spmem:s24] =	stream.linear.scatter [tilespmem:s22], [sflag:$0x6], $0x3C00, $0x38;
	[tilespmem:$0x1F800] =	vst v63  }
0x72: {  	_ =	swait.ge [sflag:s23], $0x3C00  }
0x73: {  	[sflag:s23] =	ssyncset.done $0x0  }
0x74: {  	s8 =	rddreg [dreg:$0x7];
	[sflag:s23] =	ssyncadd.s32 $0xFFFFC400  }
0x75: {  	[spmem:s8] =	stream.linear.scatter [tilespmem:s22], [sflag:$0x6], $0x3C00, $0x38;
	[tilespmem:$0x1F800] =	vst v63  }
0x76: {  	_ =	swait.ge [sflag:s23], $0x3C00  }
0x77: {  	[sflag:s23] =	ssyncset.done $0x0  }
0x78: {  	s24 =	rddreg [dreg:$0x8];
	[sflag:s23] =	ssyncadd.s32 $0xFFFFC400  }
0x79: {  	[spmem:s24] =	stream.linear.scatter [tilespmem:s22], [sflag:$0x6], $0x3C00, $0x38;
	[tilespmem:$0x1F800] =	vst v63  }
0x7a: {  	_ =	swait.ge [sflag:s23], $0x3C00  }
0x7b: {  	[sflag:s23] =	ssyncset.done $0x0  }
0x7c: {  	s7 =	rddreg [dreg:$0x9];
	[sflag:s23] =	ssyncadd.s32 $0xFFFFC400  }
0x7d: {  	[spmem:s7] =	stream.linear.scatter [tilespmem:s22], [sflag:$0x6], $0x3C00, $0x38;
	[tilespmem:$0x1F800] =	vst v63  }
0x7e: {  	_ =	swait.ge [sflag:s23], $0x3C00  }
0x7f: {  	[sflag:s23] =	ssyncset.done $0x0  }
0x80: {  	s9 =	rddreg [dreg:$0xa];
	[sflag:s23] =	ssyncadd.s32 $0xFFFFC400  }
0x81: {  	[spmem:s9] =	stream.linear.scatter [tilespmem:s22], [sflag:$0x6], $0x1000, $0x38;
	[tilespmem:$0x1F800] =	vst v63  }
0x82: {  	_ =	swait.ge [sflag:s23], $0x1000  }
0x83: {  	[sflag:s23] =	ssyncset.done $0x0  }
0x84: {  	[sflag:s23] =	ssyncadd.s32 $0xFFFFF000  }
0x85: {  	[bflag:$0x0] =	sbarrier.arrive $0xFFFF  }
0x86: {  	s11 =	simm.s32 $0x1F000;
	s9 =	simm.s32 $0x0;
	s10 =	rddreg [dreg:$0xb]  }
0x87: {  	[tilespmem:s11], [sflag:$0x6] =	stream.linear.gather [hbm4b:s10+s9], $0x180, $0x38;
	[tilespmem:$0x1F800] =	vst v63  }
0x88: {  	s10 =	sadd.s32 $0xE000, s10  }
0x89: {  	[tilespmem:s25], [sflag:$0x6] =	stream.linear.gather [hbm4b:s10+s9], $0x180, $0x38;
	[tilespmem:$0x1F800] =	vst v63  }
0x8a: {  	_ =	swait.ge [sflag:s23], $0x300  }
0x8b: {  	[sflag:s23] =	ssyncset.done $0x0  }
0x8c: {  	s12 =	rddreg [dreg:$0xc];
	[sflag:s23] =	ssyncadd.s32 $0xFFFFFD00  }
0x8d: {  	[tilespmem:s26], [sflag:$0x5] =	stream.linear.gather [hbm4b:s12+s9], $0x180, $0x38;
	[tilespmem:$0x1F800] =	vst v63  }
0x8e: {  	s24 =	sadd.s32 $0xE000, s12  }
0x8f: {  	[tilespmem:s28], [sflag:$0x5] =	stream.linear.gather [hbm4b:s24+s9], $0x180, $0x38;
	[tilespmem:$0x1F800] =	vst v63  }
0x90: {  	_ = 	snop  }
0x91: {  	[tilespmem:s22], [sflag:$0x1] =	stream.indirect.gather [hbm4b:s1+s29], $0x80, s11, s29, $0xb8;
	[tilespmem:$0x1F800] =	vst v63  }
0x92: {  	s7 =	simm.s32 $0x1F000  }
0x93: {  	[tilespmem:s30], [sflag:$0x2] =	stream.indirect.gather [hbm4b:s1+s29], $0x80, s25, s29, $0xb8;
	[tilespmem:$0x1F800] =	vst v63  }
.LBB2_4:
0x94: {  	_ =	swait.ge [sflag:s31], $0x3C00  }
0x95: {  	[sflag:s31] =	ssyncset.done $0x0  }
0x96: {  	[sflag:s31] =	ssyncadd.s32 $0xFFFFC400  }
0x97: {  	[tilespmem:s2], [sflag:$0x3] =	stream.indirect.gather [hbm4b:s1+s29], $0x80, s0, s29, $0xb8;
	[tilespmem:$0x1F800] =	vst v63  }
0x98: {  	_ = 	snop  }
0x99: {  	[spmem:s3] =	stream.indirect.scatter.add.f32 [tilespmem:s22], [sflag:$0x6], $0x80, s25, s29, $0xb8;
	[tilespmem:$0x1F800] =	vst v63  }
0x9a: {  	_ =	swait.ge [sflag:s23], $0x3C00  }
0x9b: {  	[sflag:s23] =	ssyncset.done $0x0  }
0x9c: {  	[sflag:s23] =	ssyncadd.s32 $0xFFFFC400  }
0x9d: {  	_ =	swait.ge [sflag:s13], $0x3C00  }
0x9e: {  	[sflag:s13] =	ssyncset.done $0x0  }
0x9f: {  	[sflag:s13] =	ssyncadd.s32 $0xFFFFC400  }
0xa0: {  	[tilespmem:s22], [sflag:$0x1] =	stream.indirect.gather [hbm4b:s1+s29], $0x80, s14, s29, $0xb8;
	[tilespmem:$0x1F800] =	vst v63  }
0xa1: {  	_ = 	snop  }
0xa2: {  	[spmem:s3] =	stream.indirect.scatter.add.f32 [tilespmem:s30], [sflag:$0x6], $0x80, s7, s29, $0xb8;
	[tilespmem:$0x1F800] =	vst v63  }
0xa3: {  	_ =	swait.ge [sflag:s23], $0x3C00  }
0xa4: {  	[sflag:s23] =	ssyncset.done $0x0  }
0xa5: {  	[sflag:s23] =	ssyncadd.s32 $0xFFFFC400  }
0xa6: {  	_ =	swait.ge [sflag:s15], $0x3C00  }
0xa7: {  	[sflag:s15] =	ssyncset.done $0x0  }
0xa8: {  	[sflag:s15] =	ssyncadd.s32 $0xFFFFC400  }
0xa9: {  	[tilespmem:s30], [sflag:$0x2] =	stream.indirect.gather [hbm4b:s1+s29], $0x80, s16, s29, $0xb8;
	[tilespmem:$0x1F800] =	vst v63  }
0xaa: {  	_ = 	snop  }
0xab: {  	[spmem:s3] =	stream.indirect.scatter.add.f32 [tilespmem:s2], [sflag:$0x6], $0x80, s14, s29, $0xb8;
	[tilespmem:$0x1F800] =	vst v63  }
0xac: {  	_ =	swait.ge [sflag:s23], $0x3C00  }
0xad: {  	[sflag:s23] =	ssyncset.done $0x0  }
0xae: {  	[sflag:s23] =	ssyncadd.s32 $0xFFFFC400  }
0xaf: {  	_ =	swait.ge [sflag:s31], $0x3C00  }
0xb0: {  	[sflag:s31] =	ssyncset.done $0x0  }
0xb1: {  	[sflag:s31] =	ssyncadd.s32 $0xFFFFC400  }
0xb2: {  	[tilespmem:s2], [sflag:$0x3] =	stream.indirect.gather [hbm4b:s1+s29], $0x80, s17, s29, $0xb8;
	[tilespmem:$0x1F800] =	vst v63  }
0xb3: {  	_ = 	snop  }
0xb4: {  	[spmem:s3] =	stream.indirect.scatter.add.f32 [tilespmem:s22], [sflag:$0x6], $0x80, s0, s29, $0xb8;
	[tilespmem:$0x1F800] =	vst v63  }
0xb5: {  	_ =	swait.ge [sflag:s23], $0x3C00  }
0xb6: {  	[sflag:s23] =	ssyncset.done $0x0  }
0xb7: {  	[sflag:s23] =	ssyncadd.s32 $0xFFFFC400  }
0xb8: {  	_ =	swait.ge [sflag:s13], $0x3C00  }
0xb9: {  	[sflag:s13] =	ssyncset.done $0x0  }
0xba: {  	[sflag:s13] =	ssyncadd.s32 $0xFFFFC400  }
0xbb: {  	_ =	swait.ge [sflag:s18], $0x300  }
0xbc: {  	[sflag:s18] =	ssyncset.done $0x0  }
0xbd: {  	[sflag:s18] =	ssyncadd.s32 $0xFFFFFD00  }
0xbe: {  	[tilespmem:s22], [sflag:$0x1] =	stream.indirect.gather [hbm4b:s1+s29], $0x80, s26, s29, $0xb8;
	[tilespmem:$0x1F800] =	vst v63  }
0xbf: {  	_ = 	snop  }
0xc0: {  	[spmem:s3] =	stream.indirect.scatter.add.f32 [tilespmem:s30], [sflag:$0x6], $0x80, s17, s29, $0xb8;
	[tilespmem:$0x1F800] =	vst v63  }
0xc1: {  	_ =	swait.ge [sflag:s23], $0x3C00  }
0xc2: {  	[sflag:s23] =	ssyncset.done $0x0  }
0xc3: {  	[sflag:s23] =	ssyncadd.s32 $0xFFFFC400  }
0xc4: {  	_ =	swait.ge [sflag:s15], $0x3C00  }
0xc5: {  	[sflag:s15] =	ssyncset.done $0x0  }
0xc6: {  	[sflag:s15] =	ssyncadd.s32 $0xFFFFC400  }
0xc7: {  	[tilespmem:s30], [sflag:$0x2] =	stream.indirect.gather [hbm4b:s1+s29], $0x80, s28, s29, $0xb8;
	[tilespmem:$0x1F800] =	vst v63  }
0xc8: {  	_ = 	snop  }
0xc9: {  	[spmem:s3] =	stream.indirect.scatter.add.f32 [tilespmem:s2], [sflag:$0x6], $0x80, s16, s29, $0xb8;
	[tilespmem:$0x1F800] =	vst v63  }
0xca: {  	p0 =	seq.s32 s9, $0x680;
	_ =	swait.ge [sflag:s23], $0x3C00  }
0xcb: {  	s10 =	sadd.s32 @!p0 s9, s21;
	[sflag:s23] =	ssyncset.done $0x0  }
0xcc: {  	s12 =	simm.s32 @!p0 $0x0;
	s11 =	simm.s32 @!p0 $0x1F000;
	[sflag:s23] =	ssyncadd.s32 $0xFFFFC400  }
0xcd: {  	[tilespmem:s11], [sflag:$0x4] =	stream.linear.gather @!p0 [hbm4b:s10+s12], $0x180, $0x38;
	[tilespmem:$0x1F800] =	vst v63  }
0xce: {  	s8 =	sadd.s32 @!p0 $0xE000, s10;
	s10 =	simm.s32 @!p0 $0x1F200  }
0xcf: {  	[tilespmem:s10], [sflag:$0x4] =	stream.linear.gather @!p0 [hbm4b:s8+s12], $0x180, $0x38;
	[tilespmem:$0x1F800] =	vst v63  }
0xd0: {  	_ =	swait.ge [sflag:s31], $0x3C00  }
0xd1: {  	[sflag:s31] =	ssyncset.done $0x0  }
0xd2: {  	[sflag:s31] =	ssyncadd.s32 $0xFFFFC400  }
0xd3: {  	[tilespmem:s2], [sflag:$0x3] =	stream.indirect.gather [hbm4b:s1+s29], $0x80, s19, s29, $0xb8;
	[tilespmem:$0x1F800] =	vst v63  }
0xd4: {  	_ = 	snop  }
0xd5: {  	[spmem:s3] =	stream.indirect.scatter.add.f32 [tilespmem:s22], [sflag:$0x6], $0x80, s28, s29, $0xb8;
	[tilespmem:$0x1F800] =	vst v63  }
0xd6: {  	_ =	swait.ge [sflag:s23], $0x3C00  }
0xd7: {  	[sflag:s23] =	ssyncset.done $0x0  }
0xd8: {  	[sflag:s23] =	ssyncadd.s32 $0xFFFFC400  }
0xd9: {  	_ =	swait.ge [sflag:s13], $0x3C00  }
0xda: {  	[sflag:s13] =	ssyncset.done $0x0  }
0xdb: {  	[sflag:s13] =	ssyncadd.s32 $0xFFFFC400  }
0xdc: {  	[tilespmem:s22], [sflag:$0x1] =	stream.indirect.gather [hbm4b:s1+s29], $0x80, s5, s29, $0xb8;
	[tilespmem:$0x1F800] =	vst v63  }
0xdd: {  	_ = 	snop  }
0xde: {  	[spmem:s3] =	stream.indirect.scatter.add.f32 [tilespmem:s30], [sflag:$0x6], $0x80, s26, s29, $0xb8;
	[tilespmem:$0x1F800] =	vst v63  }
0xdf: {  	_ =	swait.ge [sflag:s23], $0x3C00  }
0xe0: {  	[sflag:s23] =	ssyncset.done $0x0  }
0xe1: {  	[sflag:s23] =	ssyncadd.s32 $0xFFFFC400  }
0xe2: {  	_ =	swait.ge [sflag:s15], $0x3C00  }
0xe3: {  	[sflag:s15] =	ssyncset.done $0x0  }
0xe4: {  	[sflag:s15] =	ssyncadd.s32 $0xFFFFC400  }
0xe5: {  	[tilespmem:s30], [sflag:$0x2] =	stream.indirect.gather [hbm4b:s1+s29], $0x80, s6, s29, $0xb8;
	[tilespmem:$0x1F800] =	vst v63  }
0xe6: {  	_ = 	snop  }
0xe7: {  	[spmem:s3] =	stream.indirect.scatter.add.f32 [tilespmem:s2], [sflag:$0x6], $0x80, s5, s29, $0xb8;
	[tilespmem:$0x1F800] =	vst v63  }
0xe8: {  	_ =	swait.ge [sflag:s23], $0x3C00  }
0xe9: {  	[sflag:s23] =	ssyncset.done $0x0  }
0xea: {  	[sflag:s23] =	ssyncadd.s32 $0xFFFFC400  }
0xeb: {  	_ =	swait.ge [sflag:s31], $0x3C00  }
0xec: {  	[sflag:s31] =	ssyncset.done $0x0  }
0xed: {  	s24 =	simm.s32 $0x1F700;
	[sflag:s31] =	ssyncadd.s32 $0xFFFFC400  }
0xee: {  	[tilespmem:s2], [sflag:$0x3] =	stream.indirect.gather [hbm4b:s1+s29], $0x80, s24, s29, $0xb8;
	[tilespmem:$0x1F800] =	vst v63  }
0xef: {  	_ = 	snop  }
0xf0: {  	[spmem:s3] =	stream.indirect.scatter.add.f32 [tilespmem:s22], [sflag:$0x6], $0x80, s19, s29, $0xb8;
	[tilespmem:$0x1F800] =	vst v63  }
0xf1: {  	_ =	swait.ge [sflag:s23], $0x3C00  }
0xf2: {  	[sflag:s23] =	ssyncset.done $0x0  }
0xf3: {  	[sflag:s23] =	ssyncadd.s32 $0xFFFFC400  }
0xf4: {  	_ =	swait.ge [sflag:s13], $0x3C00  }
0xf5: {  	s8 =	simm.s32 @p0 $0x78;
	[sflag:s13] =	ssyncset.done $0x0  }
0xf6: {  	s12 =	simm.s32 @p0 $0x1F700;
	s24 =	simm.s32 @p0 $0x17800;
	[sflag:s13] =	ssyncadd.s32 $0xFFFFC400  }
0xf7: {  	[spmem:s3] =	stream.indirect.scatter.add.f32 @p0 [tilespmem:s24], [sflag:$0x6], $0x80, s12, s8, $0xb8;
	[tilespmem:$0x1F800] =	vst v63  }
0xf8: {  	s8 =	simm.s32 @p0 $0x6  }
0xf9: {  	_ =	swait.ge @p0 [sflag:s8], $0x3C00  }
0xfa: {  	[sflag:s8] =	ssyncset.done @p0 $0x0  }
0xfb: {  	[sflag:s8] =	ssyncadd.s32 @p0 $0xFFFFC400;
	s8 =	simm.s32 @p0 $0x3  }
0xfc: {  	_ =	swait.ge @p0 [sflag:s8], $0x3C00  }
0xfd: {  	[sflag:s8] =	ssyncset.done @p0 $0x0  }
0xfe: {  	[sflag:s8] =	ssyncadd.s32 @p0 $0xFFFFC400;
	s8 =	simm.s32 @!p0 $0x4  }
0xff: {  	_ =	swait.ge @!p0 [sflag:s8], $0x300  }
0x100: {  	[sflag:s8] =	ssyncset.done @!p0 $0x0  }
0x101: {  	s12 =	simm.s32 @!p0 $0x13C00;
	[sflag:s8] =	ssyncadd.s32 @!p0 $0xFFFFFD00;
	s8 =	simm.s32 @!p0 $0x78  }
0x102: {  	[tilespmem:s12], [sflag:$0x1] =	stream.indirect.gather @!p0 [hbm4b:s1+s8], $0x80, s11, s8, $0xb8;
	[tilespmem:$0x1F800] =	vst v63  }
0x103: {  	s11 =	simm.s32 @!p0 $0x1F700;
	s12 =	simm.s32 @!p0 $0x17800  }
0x104: {  	[spmem:s3] =	stream.indirect.scatter.add.f32 @!p0 [tilespmem:s12], [sflag:$0x6], $0x80, s11, s8, $0xb8;
	[tilespmem:$0x1F800] =	vst v63  }
0x105: {  	s11 =	simm.s32 @!p0 $0x6  }
0x106: {  	_ =	swait.ge @!p0 [sflag:s11], $0x3C00  }
0x107: {  	[sflag:s11] =	ssyncset.done @!p0 $0x0  }
0x108: {  	[sflag:s11] =	ssyncadd.s32 @!p0 $0xFFFFC400;
	s11 =	simm.s32 @!p0 $0x3  }
0x109: {  	_ =	swait.ge @!p0 [sflag:s11], $0x3C00  }
0x10a: {  	[sflag:s11] =	ssyncset.done @!p0 $0x0  }
0x10b: {  	[sflag:s11] =	ssyncadd.s32 @!p0 $0xFFFFC400  }
0x10c: {  	[tilespmem:s12], [sflag:$0x2] =	stream.indirect.gather @!p0 [hbm4b:s1+s8], $0x80, s10, s8, $0xb8;
	[tilespmem:$0x1F800] =	vst v63  }
.Ltmp3:
0x10d: {  	_ = 	snop;
	(pc) =	sbr.rel @p0 .LBB2_6-.Ltmp3, $4  }
0x10e: {  	[spmem:s3] =	stream.indirect.scatter.add.f32 [tilespmem:s2], [sflag:$0x6], $0x80, s6, s29, $0xb8;
	[tilespmem:$0x1F800] =	vst v63  }
0x10f: {  	_ =	swait.ge [sflag:s23], $0x3C00  }
0x110: {  	[sflag:s23] =	ssyncset.done $0x0  }
0x111: {  	[sflag:s23] =	ssyncadd.s32 $0xFFFFC400  }
.Ltmp4:
0x112: {  	(pc) =	sbr.rel .LBB2_4-.Ltmp4, $4  }
0x113: {  	s8 =	sadd.s32 s9, s20  }
0x114: {  	[tilespmem:s26], [sflag:$0x5] =	stream.linear.gather [hbm4b:s8+s4], $0x180, $0x38;
	[tilespmem:$0x1F800] =	vst v63  }
0x115: {  	s9 =	sadd.s32 $0x80, s9;
	s8 =	sadd.s32 $0xE000, s8  }
0x116: {  	[tilespmem:s28], [sflag:$0x5] =	stream.linear.gather [hbm4b:s8+s4], $0x180, $0x38;
	[tilespmem:$0x1F800] =	vst v63  }
.LBB2_7:
0x117: {  	_ =	sfence.sel $0x180000  }
0x118: {  	[bflag:$0x0] =	sbarrier.arrive $0xFFFF  }
0x119: {  	_ =	strace $0x90000047  }
0x11a: {  	s0 =	stileid.u32;
	[bflag:$0x2] =	sbarrier.arrive $0xFFFF  }
0x11b: {  	p0 =	sne.s32 s0, $0x0;
	s0 =	rddreg [dreg:$0x4]  }
0x11c: {  	s0 =	sadd.s32 @!p0 $0x100000, s0  }
0x11d: {  	[sflag:s0] =	ssyncadd.tile.s32 @!p0 $0x1;
	_ =	shalt  }
.Lfunc_end2:
_tile_overlayer_lowered:
.L_overlay_start_2:
0x11e: {  	(tag) =	ssettag $0x2  }
0x11f: {  	s0 =	rddreg [dreg:$0x0];
	s2 =	stileid.u32  }
0x120: {  	s1 =	rddreg [dreg:$0x1];
	p0 =	sne.s32 s2, $0x0  }
0x121: {  	s3 =	rddreg [dreg:$0x2];
	[bflag:$0x3] =	sbarrier.arrive $0xFFFF;
	s2 =	simm.s32 @!p0 $0x1C06  }
0x122: {  	[timem:s3], [sflag:s2] =	dma.local @!p0 [hbm:s0], s1  }
0x123: {  	s0 =	simm.s32 @!p0 $0x6  }
0x124: {  	_ =	swait.ge @!p0 [sflag:s0], s1  }
0x125: {  	s1 =	ssub.s32 @!p0 $0x0, s1;
	[sflag:s0] =	ssyncset.done @!p0 $0x0  }
0x126: {  	[sflag:s0] =	ssyncadd.s32 @!p0 s1  }
0x127: {  	[bflag:$0x3] =	sbarrier.arrive $0xFFFF  }
0x128: {  	_ =	shalt  }

</sc_bundles>
